<compile_context>
chip_gen: v7x
topology: tpu7x:2x2x1
jax: 0.10.2.dev20260603
libtpu: 0.0.44.dev20260713+nightly
codegen_flags: <defaults>
</compile_context>

<pallas_src>
import functools

import jax
import jax.numpy as jnp
import numpy as np
from jax import lax
from jax.experimental import pallas as pl
from jax.experimental.pallas import tpu as pltpu
from jax.experimental.pallas import tpu_sc as plsc

B, L, D = 1024, 200, 128
R = B * L

_KS0 = 0
_KS1 = 42
_KS2 = _KS0 ^ _KS1 ^ 0x1BD11BDA

_ROT_A = (13, 15, 26, 6)
_ROT_B = (17, 29, 16, 24)

_U_LO = np.nextafter(np.float32(-1.0), np.float32(0.0))
_U_SCALE = np.float32(np.float32(1.0) - _U_LO)

_P_CEN = (0.00026860387879423797, -0.0017988290637731552,
          -0.005824816878885031, 0.34883350133895874, 2.1232898235321045)
_P_TAIL = (0.011284761130809784, -0.014970150776207447,
           0.01117495633661747, 1.4167976379394531, 4.006538391113281)


def _u32(v):
    return jnp.uint32(v & 0xFFFFFFFF)


def _noise_for_idx(x1_init):
    def rounds(x0, x1, rots):
        for r in rots:
            x0 = x0 + x1
            x1 = (x1 << jnp.uint32(r)) | (x1 >> jnp.uint32(32 - r))
            x1 = x0 ^ x1
        return x0, x1

    x0 = x1_init
    x1 = ((x1_init << jnp.uint32(13)) | (x1_init >> jnp.uint32(19))) ^ x0
    x0, x1 = rounds(x0, x1, _ROT_A[1:])
    x0, x1 = x0 + _u32(_KS1), x1 + _u32(_KS2 + 1)
    x0, x1 = rounds(x0, x1, _ROT_B)
    x0, x1 = x0 + _u32(_KS2), x1 + _u32(_KS0 + 2)
    x0, x1 = rounds(x0, x1, _ROT_A)
    x0, x1 = x0 + _u32(_KS0), x1 + _u32(_KS1 + 3)
    x0, x1 = rounds(x0, x1, _ROT_B)
    x0, x1 = x0 + _u32(_KS1), x1 + _u32(_KS2 + 4)
    x0, x1 = rounds(x0, x1, _ROT_A)
    x0, x1 = x0 + _u32(_KS2), x1 + _u32(_KS0 + 5)
    bits = x0 ^ x1

    fbits = (bits >> jnp.uint32(9)) | jnp.uint32(0x3F800000)
    f = lax.bitcast_convert_type(fbits, jnp.float32)
    u = (f - jnp.float32(1.0)) * _U_SCALE + _U_LO

    w = -jnp.log(jnp.float32(1.0) - u * u)
    cen = w < jnp.float32(5.0)
    z = jnp.where(cen, w - jnp.float32(2.5), jnp.sqrt(w) - jnp.float32(3.0))
    p = jnp.where(cen, jnp.float32(_P_CEN[0]), jnp.float32(_P_TAIL[0]))
    for cc, ct in zip(_P_CEN[1:], _P_TAIL[1:]):
        p = jnp.where(cen, jnp.float32(cc), jnp.float32(ct)) + p * z
    return p * u


def _noise_scale_body(sig_ref, out_ref, *, rows_per_block):
    i = pl.program_id(0)
    base = i * (rows_per_block * D)
    flat = (lax.broadcasted_iota(jnp.int32, (D, D), 0) * D
            + lax.broadcasted_iota(jnp.int32, (D, D), 1))
    sig_t = jnp.transpose(sig_ref[...])

    for j in range(rows_per_block // D):
        x1_init = (flat + (base + j * (D * D) + _KS1)).astype(jnp.uint32)
        noise = _noise_for_idx(x1_init)
        out_ref[j * D:(j + 1) * D, :] = noise * sig_t[:, j:j + 1]


def _noise_scale(sig_packed, rows_per_block=1024):
    nblk = R // rows_per_block
    return pl.pallas_call(
        functools.partial(_noise_scale_body, rows_per_block=rows_per_block),
        grid=(nblk,),
        in_specs=[pl.BlockSpec((rows_per_block // D, D), lambda i: (i, 0))],
        out_specs=pl.BlockSpec((rows_per_block, D), lambda i: (i, 0)),
        out_shape=jax.ShapeDtypeStruct((R, D), jnp.float32),

    )(sig_packed)


def _sigma_gather(table_flat, idx_flat):
    n_table = table_flat.shape[0]
    info = plsc.get_sparse_core_info()
    nw = info.num_cores * info.num_subcores
    b_per_w = R // nw
    mesh = plsc.VectorSubcoreMesh(core_axis_name="c", subcore_axis_name="s")

    @functools.partial(
        pl.kernel, mesh=mesh,
        out_type=jax.ShapeDtypeStruct((R,), jnp.float32),
        compiler_params=pltpu.CompilerParams(needs_layout_passes=False),
        scratch_types=[
            pltpu.VMEM((n_table,), jnp.float32),
            pltpu.VMEM((b_per_w,), jnp.int32),
            pltpu.VMEM((b_per_w,), jnp.float32),
        ],
    )
    def gather_k(table_hbm, idx_hbm, out_hbm, table_v, idx_v, out_v):
        wid = lax.axis_index("s") * info.num_cores + lax.axis_index("c")
        base = wid * b_per_w
        pltpu.sync_copy(table_hbm, table_v)
        pltpu.sync_copy(idx_hbm.at[pl.ds(base, b_per_w)], idx_v)

        def body(j, carry):
            iv = idx_v[pl.ds(j * 16, 16)]
            out_v[pl.ds(j * 16, 16)] = plsc.load_gather(table_v, [iv])
            return carry

        lax.fori_loop(0, b_per_w // 16, body, 0)
        pltpu.sync_copy(out_v, out_hbm.at[pl.ds(base, b_per_w)])

    return gather_k(table_flat, idx_flat)


def kernel(concepts, embeddings, sigmas_table):
    del embeddings
    idx_flat = concepts.reshape(R).astype(jnp.int32)
    sig = _sigma_gather(sigmas_table.reshape(-1), idx_flat)
    out = _noise_scale(sig.reshape(R // D, D))
    return out.reshape(B, L, D)

# --- scband reference (transcript-rebuilt; emitter-appended) ---
"""Pipeline reference for scband-gaussian-noise-34918084117035 (READ-ONLY COPY).

The authoritative reference and input builder live on the scoring server;
editing this copy changes nothing except your own understanding.
"""

import jax, jax.numpy as jnp
import numpy as np

NUM_CONCEPTS = 100000
B, L, D = 1024, 200, 128

def setup_inputs(seed: int = 0) -> dict:
    key = jax.random.key(seed)
    k1, k2 = jax.random.split(key, 2)
    concepts = jax.random.randint(k1, (B, L), 0, NUM_CONCEPTS)
    embeddings = jax.random.normal(k2, (B, L, D), dtype=jnp.float32)
    # learned parameter: per-concept sigma embedding table, initialized to 0.001
    sigmas_table = jnp.full((NUM_CONCEPTS, 1), 0.001, dtype=jnp.float32)
    return {"concepts": concepts, "embeddings": embeddings, "sigmas_table": sigmas_table}

def reference(concepts, embeddings, sigmas_table):
    # concept_sigmas = self.sigmas_embedding(concepts).squeeze(-1)
    concept_sigmas = jnp.take(sigmas_table, concepts, axis=0).squeeze(-1)  # [B, L]
    # std_normal_noise = torch.randn_like(embeddings)
    noise_key = jax.random.key(42)
    std_normal_noise = jax.random.normal(noise_key, embeddings.shape, dtype=embeddings.dtype)
    # scaled_noise = std_normal_noise * concept_sigmas.unsqueeze(-1)
    scaled_noise = std_normal_noise * concept_sigmas[..., None]
    return scaled_noise

if __name__ == "__main__":
    import jax
    _d = setup_inputs()
    print(jax.jit(kernel)(*tuple(_d.values())))

</pallas_src>

<mosaic_0001>
#map = affine_map<(d0, d1) -> (0)>
module attributes {stable_mosaic.version = 14 : i64} {
  func.func @gather_k(%arg0: i32, %arg1: i32, %arg2: memref<100000xf32, #tpu.memory_space<hbm>>, %arg3: memref<204800xi32, #tpu.memory_space<hbm>>, %arg4: memref<204800xf32, #tpu.memory_space<hbm>>, %arg5: memref<100000xf32, #tpu.memory_space<vmem>>, %arg6: memref<6400xi32, #tpu.memory_space<vmem>>, %arg7: memref<6400xf32, #tpu.memory_space<vmem>>) attributes {dimension_semantics = [#tpu.dimension_semantics<core_parallel>, #tpu.dimension_semantics<subcore_parallel>], iteration_bounds = array<i64: 2, 16>, scalar_prefetch = 0 : i64, scratch_operands = 3 : i64, tpu.core_type = #tpu.core_type<sc_vector_subcore>, window_params = [{transform_indices = #map}, {transform_indices = #map}, {transform_indices = #map}]} {
    %mul3A = arith.constant 2 : i32
    %mul3A_0 = arith.muli %arg1, %mul3A : i32
    %add3A = arith.addi %mul3A_0, %arg0 : i32
    %mul3A_1 = arith.constant 6400 : i32
    %mul3A_2 = arith.muli %add3A, %mul3A_1 : i32
    "tpu.region"() ({
      %run_scoped3A = tpu.sem_alloc : memref<!tpu.dma_semaphore, #tpu.memory_space<semaphore_mem>>
      tpu.enqueue_dma source(%arg2 : memref<100000xf32, #tpu.memory_space<hbm>>) target(%arg5 : memref<100000xf32, #tpu.memory_space<vmem>>) target_semaphore(%run_scoped3A : memref<!tpu.dma_semaphore, #tpu.memory_space<semaphore_mem>>)
      tpu.wait_dma2 semaphore(%run_scoped3A : memref<!tpu.dma_semaphore, #tpu.memory_space<semaphore_mem>>) src(%arg2 : memref<100000xf32, #tpu.memory_space<hbm>>) dst(%arg5 : memref<100000xf32, #tpu.memory_space<vmem>>)
      tpu.yield
    }) : () -> ()
    "tpu.region"() ({
      %run_scoped3A = tpu.sem_alloc : memref<!tpu.dma_semaphore, #tpu.memory_space<semaphore_mem>>
      %dma_start3A = tpu.memref_slice %arg3[%mul3A_2] : memref<204800xi32, #tpu.memory_space<hbm>> -> memref<6400xi32, #tpu.memory_space<hbm>>
      %dma_start3A_8 = tpu.memref_slice %arg3[%mul3A_2] : memref<204800xi32, #tpu.memory_space<hbm>> -> memref<6400xi32, #tpu.memory_space<hbm>>
      tpu.enqueue_dma source(%dma_start3A_8 : memref<6400xi32, #tpu.memory_space<hbm>>) target(%arg6 : memref<6400xi32, #tpu.memory_space<vmem>>) target_semaphore(%run_scoped3A : memref<!tpu.dma_semaphore, #tpu.memory_space<semaphore_mem>>)
      %dma_wait3A = tpu.memref_slice %arg3[%mul3A_2] : memref<204800xi32, #tpu.memory_space<hbm>> -> memref<6400xi32, #tpu.memory_space<hbm>>
      %dma_wait3A_9 = tpu.memref_slice %arg3[%mul3A_2] : memref<204800xi32, #tpu.memory_space<hbm>> -> memref<6400xi32, #tpu.memory_space<hbm>>
      tpu.wait_dma2 semaphore(%run_scoped3A : memref<!tpu.dma_semaphore, #tpu.memory_space<semaphore_mem>>) src(%dma_wait3A_9 : memref<6400xi32, #tpu.memory_space<hbm>>) dst(%arg6 : memref<6400xi32, #tpu.memory_space<vmem>>)
      tpu.yield
    }) : () -> ()
    %scan3A = arith.constant 0 : i32
    %scan3A_3 = arith.constant 0 : i32
    %scan3A_4 = arith.constant 400 : i32
    %scan3A_5 = arith.addi %scan3A_3, %scan3A_4 : i32
    %scan3A_6 = arith.constant 1 : i32
    scf.for %scan3A_8 = %scan3A_3 to %scan3A_5 step %scan3A_6  : i32 {
      %mul3A_9 = arith.constant 16 : i32
      %mul3A_10 = arith.muli %scan3A_8, %mul3A_9 : i32
      %get3A = arith.index_cast %mul3A_10 : i32 to index
      %get3A_11 = tpu.vector_load %arg6[%get3A] {strides = array<i32>} : memref<6400xi32, #tpu.memory_space<vmem>>, vector<16xi32>,
      %gather3A = tpu.vector_load_idx %arg5[%get3A_11] : memref<100000xf32, #tpu.memory_space<vmem>>[vector<16xi32>], vector<16xf32>,
      %mul3A_12 = arith.constant 16 : i32
      %mul3A_13 = arith.muli %scan3A_8, %mul3A_12 : i32
      %swap3A = arith.index_cast %mul3A_13 : i32 to index
      %swap3A_14 = tpu.vector_load %arg7[%swap3A] {strides = array<i32>} : memref<6400xf32, #tpu.memory_space<vmem>>, vector<16xf32>,
      tpu.vector_store %arg7[%swap3A], %gather3A {strides = array<i32>} : memref<6400xf32, #tpu.memory_space<vmem>>, vector<16xf32>,
    }
    %scan3A_7 = arith.constant 400 : i32
    "tpu.region"() ({
      %run_scoped3A = tpu.sem_alloc : memref<!tpu.dma_semaphore, #tpu.memory_space<semaphore_mem>>
      %dma_start3A = tpu.memref_slice %arg4[%mul3A_2] : memref<204800xf32, #tpu.memory_space<hbm>> -> memref<6400xf32, #tpu.memory_space<hbm>>
      %dma_start3A_8 = tpu.memref_slice %arg4[%mul3A_2] : memref<204800xf32, #tpu.memory_space<hbm>> -> memref<6400xf32, #tpu.memory_space<hbm>>
      tpu.enqueue_dma source(%arg7 : memref<6400xf32, #tpu.memory_space<vmem>>) target(%dma_start3A_8 : memref<6400xf32, #tpu.memory_space<hbm>>) target_semaphore(%run_scoped3A : memref<!tpu.dma_semaphore, #tpu.memory_space<semaphore_mem>>)
      %dma_wait3A = tpu.memref_slice %arg4[%mul3A_2] : memref<204800xf32, #tpu.memory_space<hbm>> -> memref<6400xf32, #tpu.memory_space<hbm>>
      %dma_wait3A_9 = tpu.memref_slice %arg4[%mul3A_2] : memref<204800xf32, #tpu.memory_space<hbm>> -> memref<6400xf32, #tpu.memory_space<hbm>>
      tpu.wait_dma2 semaphore(%run_scoped3A : memref<!tpu.dma_semaphore, #tpu.memory_space<semaphore_mem>>) src(%arg7 : memref<6400xf32, #tpu.memory_space<vmem>>) dst(%dma_wait3A_9 : memref<6400xf32, #tpu.memory_space<hbm>>)
      tpu.yield
    }) : () -> ()
    return
  }
}

module attributes {stable_mosaic.version = 14 : i64} {
  func.func @_noise_scale_body(%arg0: i32, %arg1: memref<8x128xf32, #tpu.memory_space<vmem>>, %arg2: memref<1024x128xf32, #tpu.memory_space<vmem>>) attributes {dimension_semantics = [#tpu.dimension_semantics<arbitrary>], iteration_bounds = array<i64: 200>, scalar_prefetch = 0 : i64, scratch_operands = 0 : i64, tpu.core_type = #tpu.core_type<tc>, window_params = [{transform_indices = @transform_0, window_bounds = array<i64: 8, 128>}, {transform_indices = @transform_1, window_bounds = array<i64: 1024, 128>}]} {
    %mul3A = arith.constant 131072 : i32
    %mul3A_0 = arith.muli %arg0, %mul3A : i32
    %iota3A = tpu.iota {dimensions = array<i32: 0>} : vector<128x128xi32>
    %mul3A_1 = arith.constant 128 : i32
    %mul3A_2 = vector.broadcast %mul3A_1 : i32 to vector<128x128xi32>
    %mul3A_3 = arith.muli %iota3A, %mul3A_2 : vector<128x128xi32>
    %iota3A_4 = tpu.iota {dimensions = array<i32: 1>} : vector<128x128xi32>
    %add3A = arith.addi %mul3A_3, %iota3A_4 : vector<128x128xi32>
    %get3A = arith.constant 0 : index
    %get3A_5 = arith.constant 0 : index
    %get3A_6 = vector.load %arg1[%get3A, %get3A_5] : memref<8x128xf32, #tpu.memory_space<vmem>>, vector<8x128xf32>
    %transpose3A = tpu.transpose %get3A_6, [1, 0] : vector<8x128xf32> -> vector<128x8xf32>
    %add3A_7 = arith.constant 0 : i32
    %add3A_8 = arith.addi %mul3A_0, %add3A_7 : i32
    %add3A_9 = arith.constant 42 : i32
    %add3A_10 = arith.addi %add3A_8, %add3A_9 : i32
    %add3A_11 = vector.broadcast %add3A_10 : i32 to vector<128x128xi32>
    %add3A_12 = arith.addi %add3A, %add3A_11 : vector<128x128xi32>
    %shift_left3A = arith.constant 13 : i32
    %shift_left3A_13 = vector.broadcast %shift_left3A : i32 to vector<128x128xi32>
    %shift_left3A_14 = arith.shli %add3A_12, %shift_left3A_13 : vector<128x128xi32>
    %shift_right_logical3A = arith.constant 19 : i32
    %shift_right_logical3A_15 = vector.broadcast %shift_right_logical3A : i32 to vector<128x128xi32>
    %shift_right_logical3A_16 = arith.shrui %add3A_12, %shift_right_logical3A_15 : vector<128x128xi32>
    %or3A = arith.ori %shift_left3A_14, %shift_right_logical3A_16 : vector<128x128xi32>
    %xor3A = arith.xori %or3A, %add3A_12 : vector<128x128xi32>
    %add3A_17 = arith.addi %add3A_12, %xor3A : vector<128x128xi32>
    %shift_left3A_18 = arith.constant 15 : i32
    %shift_left3A_19 = vector.broadcast %shift_left3A_18 : i32 to vector<128x128xi32>
    %shift_left3A_20 = arith.shli %xor3A, %shift_left3A_19 : vector<128x128xi32>
    %shift_right_logical3A_21 = arith.constant 17 : i32
    %shift_right_logical3A_22 = vector.broadcast %shift_right_logical3A_21 : i32 to vector<128x128xi32>
    %shift_right_logical3A_23 = arith.shrui %xor3A, %shift_right_logical3A_22 : vector<128x128xi32>
    %or3A_24 = arith.ori %shift_left3A_20, %shift_right_logical3A_23 : vector<128x128xi32>
    %xor3A_25 = arith.xori %add3A_17, %or3A_24 : vector<128x128xi32>
    %add3A_26 = arith.addi %add3A_17, %xor3A_25 : vector<128x128xi32>
    %shift_left3A_27 = arith.constant 26 : i32
    %shift_left3A_28 = vector.broadcast %shift_left3A_27 : i32 to vector<128x128xi32>
    %shift_left3A_29 = arith.shli %xor3A_25, %shift_left3A_28 : vector<128x128xi32>
    %shift_right_logical3A_30 = arith.constant 6 : i32
    %shift_right_logical3A_31 = vector.broadcast %shift_right_logical3A_30 : i32 to vector<128x128xi32>
    %shift_right_logical3A_32 = arith.shrui %xor3A_25, %shift_right_logical3A_31 : vector<128x128xi32>
    %or3A_33 = arith.ori %shift_left3A_29, %shift_right_logical3A_32 : vector<128x128xi32>
    %xor3A_34 = arith.xori %add3A_26, %or3A_33 : vector<128x128xi32>
    %add3A_35 = arith.addi %add3A_26, %xor3A_34 : vector<128x128xi32>
    %shift_left3A_36 = arith.constant 6 : i32
    %shift_left3A_37 = vector.broadcast %shift_left3A_36 : i32 to vector<128x128xi32>
    %shift_left3A_38 = arith.shli %xor3A_34, %shift_left3A_37 : vector<128x128xi32>
    %shift_right_logical3A_39 = arith.constant 26 : i32
    %shift_right_logical3A_40 = vector.broadcast %shift_right_logical3A_39 : i32 to vector<128x128xi32>
    %shift_right_logical3A_41 = arith.shrui %xor3A_34, %shift_right_logical3A_40 : vector<128x128xi32>
    %or3A_42 = arith.ori %shift_left3A_38, %shift_right_logical3A_41 : vector<128x128xi32>
    %xor3A_43 = arith.xori %add3A_35, %or3A_42 : vector<128x128xi32>
    %add3A_44 = arith.constant 42 : i32
    %add3A_45 = vector.broadcast %add3A_44 : i32 to vector<128x128xi32>
    %add3A_46 = arith.addi %add3A_35, %add3A_45 : vector<128x128xi32>
    %add3A_47 = arith.constant 466689009 : i32
    %add3A_48 = vector.broadcast %add3A_47 : i32 to vector<128x128xi32>
    %add3A_49 = arith.addi %xor3A_43, %add3A_48 : vector<128x128xi32>
    %add3A_50 = arith.addi %add3A_46, %add3A_49 : vector<128x128xi32>
    %shift_left3A_51 = arith.constant 17 : i32
    %shift_left3A_52 = vector.broadcast %shift_left3A_51 : i32 to vector<128x128xi32>
    %shift_left3A_53 = arith.shli %add3A_49, %shift_left3A_52 : vector<128x128xi32>
    %shift_right_logical3A_54 = arith.constant 15 : i32
    %shift_right_logical3A_55 = vector.broadcast %shift_right_logical3A_54 : i32 to vector<128x128xi32>
    %shift_right_logical3A_56 = arith.shrui %add3A_49, %shift_right_logical3A_55 : vector<128x128xi32>
    %or3A_57 = arith.ori %shift_left3A_53, %shift_right_logical3A_56 : vector<128x128xi32>
    %xor3A_58 = arith.xori %add3A_50, %or3A_57 : vector<128x128xi32>
    %add3A_59 = arith.addi %add3A_50, %xor3A_58 : vector<128x128xi32>
    %shift_left3A_60 = arith.constant 29 : i32
    %shift_left3A_61 = vector.broadcast %shift_left3A_60 : i32 to vector<128x128xi32>
    %shift_left3A_62 = arith.shli %xor3A_58, %shift_left3A_61 : vector<128x128xi32>
    %shift_right_logical3A_63 = arith.constant 3 : i32
    %shift_right_logical3A_64 = vector.broadcast %shift_right_logical3A_63 : i32 to vector<128x128xi32>
    %shift_right_logical3A_65 = arith.shrui %xor3A_58, %shift_right_logical3A_64 : vector<128x128xi32>
    %or3A_66 = arith.ori %shift_left3A_62, %shift_right_logical3A_65 : vector<128x128xi32>
    %xor3A_67 = arith.xori %add3A_59, %or3A_66 : vector<128x128xi32>
    %add3A_68 = arith.addi %add3A_59, %xor3A_67 : vector<128x128xi32>
    %shift_left3A_69 = arith.constant 16 : i32
    %shift_left3A_70 = vector.broadcast %shift_left3A_69 : i32 to vector<128x128xi32>
    %shift_left3A_71 = arith.shli %xor3A_67, %shift_left3A_70 : vector<128x128xi32>
    %shift_right_logical3A_72 = arith.constant 16 : i32
    %shift_right_logical3A_73 = vector.broadcast %shift_right_logical3A_72 : i32 to vector<128x128xi32>
    %shift_right_logical3A_74 = arith.shrui %xor3A_67, %shift_right_logical3A_73 : vector<128x128xi32>
    %or3A_75 = arith.ori %shift_left3A_71, %shift_right_logical3A_74 : vector<128x128xi32>
    %xor3A_76 = arith.xori %add3A_68, %or3A_75 : vector<128x128xi32>
    %add3A_77 = arith.addi %add3A_68, %xor3A_76 : vector<128x128xi32>
    %shift_left3A_78 = arith.constant 24 : i32
    %shift_left3A_79 = vector.broadcast %shift_left3A_78 : i32 to vector<128x128xi32>
    %shift_left3A_80 = arith.shli %xor3A_76, %shift_left3A_79 : vector<128x128xi32>
    %shift_right_logical3A_81 = arith.constant 8 : i32
    %shift_right_logical3A_82 = vector.broadcast %shift_right_logical3A_81 : i32 to vector<128x128xi32>
    %shift_right_logical3A_83 = arith.shrui %xor3A_76, %shift_right_logical3A_82 : vector<128x128xi32>
    %or3A_84 = arith.ori %shift_left3A_80, %shift_right_logical3A_83 : vector<128x128xi32>
    %xor3A_85 = arith.xori %add3A_77, %or3A_84 : vector<128x128xi32>
    %add3A_86 = arith.constant 466689008 : i32
    %add3A_87 = vector.broadcast %add3A_86 : i32 to vector<128x128xi32>
    %add3A_88 = arith.addi %add3A_77, %add3A_87 : vector<128x128xi32>
    %add3A_89 = arith.constant 2 : i32
    %add3A_90 = vector.broadcast %add3A_89 : i32 to vector<128x128xi32>
    %add3A_91 = arith.addi %xor3A_85, %add3A_90 : vector<128x128xi32>
    %add3A_92 = arith.addi %add3A_88, %add3A_91 : vector<128x128xi32>
    %shift_left3A_93 = arith.constant 13 : i32
    %shift_left3A_94 = vector.broadcast %shift_left3A_93 : i32 to vector<128x128xi32>
    %shift_left3A_95 = arith.shli %add3A_91, %shift_left3A_94 : vector<128x128xi32>
    %shift_right_logical3A_96 = arith.constant 19 : i32
    %shift_right_logical3A_97 = vector.broadcast %shift_right_logical3A_96 : i32 to vector<128x128xi32>
    %shift_right_logical3A_98 = arith.shrui %add3A_91, %shift_right_logical3A_97 : vector<128x128xi32>
    %or3A_99 = arith.ori %shift_left3A_95, %shift_right_logical3A_98 : vector<128x128xi32>
    %xor3A_100 = arith.xori %add3A_92, %or3A_99 : vector<128x128xi32>
    %add3A_101 = arith.addi %add3A_92, %xor3A_100 : vector<128x128xi32>
    %shift_left3A_102 = arith.constant 15 : i32
    %shift_left3A_103 = vector.broadcast %shift_left3A_102 : i32 to vector<128x128xi32>
    %shift_left3A_104 = arith.shli %xor3A_100, %shift_left3A_103 : vector<128x128xi32>
    %shift_right_logical3A_105 = arith.constant 17 : i32
    %shift_right_logical3A_106 = vector.broadcast %shift_right_logical3A_105 : i32 to vector<128x128xi32>
    %shift_right_logical3A_107 = arith.shrui %xor3A_100, %shift_right_logical3A_106 : vector<128x128xi32>
    %or3A_108 = arith.ori %shift_left3A_104, %shift_right_logical3A_107 : vector<128x128xi32>
    %xor3A_109 = arith.xori %add3A_101, %or3A_108 : vector<128x128xi32>
    %add3A_110 = arith.addi %add3A_101, %xor3A_109 : vector<128x128xi32>
    %shift_left3A_111 = arith.constant 26 : i32
    %shift_left3A_112 = vector.broadcast %shift_left3A_111 : i32 to vector<128x128xi32>
    %shift_left3A_113 = arith.shli %xor3A_109, %shift_left3A_112 : vector<128x128xi32>
    %shift_right_logical3A_114 = arith.constant 6 : i32
    %shift_right_logical3A_115 = vector.broadcast %shift_right_logical3A_114 : i32 to vector<128x128xi32>
    %shift_right_logical3A_116 = arith.shrui %xor3A_109, %shift_right_logical3A_115 : vector<128x128xi32>
    %or3A_117 = arith.ori %shift_left3A_113, %shift_right_logical3A_116 : vector<128x128xi32>
    %xor3A_118 = arith.xori %add3A_110, %or3A_117 : vector<128x128xi32>
    %add3A_119 = arith.addi %add3A_110, %xor3A_118 : vector<128x128xi32>
    %shift_left3A_120 = arith.constant 6 : i32
    %shift_left3A_121 = vector.broadcast %shift_left3A_120 : i32 to vector<128x128xi32>
    %shift_left3A_122 = arith.shli %xor3A_118, %shift_left3A_121 : vector<128x128xi32>
    %shift_right_logical3A_123 = arith.constant 26 : i32
    %shift_right_logical3A_124 = vector.broadcast %shift_right_logical3A_123 : i32 to vector<128x128xi32>
    %shift_right_logical3A_125 = arith.shrui %xor3A_118, %shift_right_logical3A_124 : vector<128x128xi32>
    %or3A_126 = arith.ori %shift_left3A_122, %shift_right_logical3A_125 : vector<128x128xi32>
    %xor3A_127 = arith.xori %add3A_119, %or3A_126 : vector<128x128xi32>
    %add3A_128 = arith.constant 0 : i32
    %add3A_129 = vector.broadcast %add3A_128 : i32 to vector<128x128xi32>
    %add3A_130 = arith.addi %add3A_119, %add3A_129 : vector<128x128xi32>
    %add3A_131 = arith.constant 45 : i32
    %add3A_132 = vector.broadcast %add3A_131 : i32 to vector<128x128xi32>
    %add3A_133 = arith.addi %xor3A_127, %add3A_132 : vector<128x128xi32>
    %add3A_134 = arith.addi %add3A_130, %add3A_133 : vector<128x128xi32>
    %shift_left3A_135 = arith.constant 17 : i32
    %shift_left3A_136 = vector.broadcast %shift_left3A_135 : i32 to vector<128x128xi32>
    %shift_left3A_137 = arith.shli %add3A_133, %shift_left3A_136 : vector<128x128xi32>
    %shift_right_logical3A_138 = arith.constant 15 : i32
    %shift_right_logical3A_139 = vector.broadcast %shift_right_logical3A_138 : i32 to vector<128x128xi32>
    %shift_right_logical3A_140 = arith.shrui %add3A_133, %shift_right_logical3A_139 : vector<128x128xi32>
    %or3A_141 = arith.ori %shift_left3A_137, %shift_right_logical3A_140 : vector<128x128xi32>
    %xor3A_142 = arith.xori %add3A_134, %or3A_141 : vector<128x128xi32>
    %add3A_143 = arith.addi %add3A_134, %xor3A_142 : vector<128x128xi32>
    %shift_left3A_144 = arith.constant 29 : i32
    %shift_left3A_145 = vector.broadcast %shift_left3A_144 : i32 to vector<128x128xi32>
    %shift_left3A_146 = arith.shli %xor3A_142, %shift_left3A_145 : vector<128x128xi32>
    %shift_right_logical3A_147 = arith.constant 3 : i32
    %shift_right_logical3A_148 = vector.broadcast %shift_right_logical3A_147 : i32 to vector<128x128xi32>
    %shift_right_logical3A_149 = arith.shrui %xor3A_142, %shift_right_logical3A_148 : vector<128x128xi32>
    %or3A_150 = arith.ori %shift_left3A_146, %shift_right_logical3A_149 : vector<128x128xi32>
    %xor3A_151 = arith.xori %add3A_143, %or3A_150 : vector<128x128xi32>
    %add3A_152 = arith.addi %add3A_143, %xor3A_151 : vector<128x128xi32>
    %shift_left3A_153 = arith.constant 16 : i32
    %shift_left3A_154 = vector.broadcast %shift_left3A_153 : i32 to vector<128x128xi32>
    %shift_left3A_155 = arith.shli %xor3A_151, %shift_left3A_154 : vector<128x128xi32>
    %shift_right_logical3A_156 = arith.constant 16 : i32
    %shift_right_logical3A_157 = vector.broadcast %shift_right_logical3A_156 : i32 to vector<128x128xi32>
    %shift_right_logical3A_158 = arith.shrui %xor3A_151, %shift_right_logical3A_157 : vector<128x128xi32>
    %or3A_159 = arith.ori %shift_left3A_155, %shift_right_logical3A_158 : vector<128x128xi32>
    %xor3A_160 = arith.xori %add3A_152, %or3A_159 : vector<128x128xi32>
    %add3A_161 = arith.addi %add3A_152, %xor3A_160 : vector<128x128xi32>
    %shift_left3A_162 = arith.constant 24 : i32
    %shift_left3A_163 = vector.broadcast %shift_left3A_162 : i32 to vector<128x128xi32>
    %shift_left3A_164 = arith.shli %xor3A_160, %shift_left3A_163 : vector<128x128xi32>
    %shift_right_logical3A_165 = arith.constant 8 : i32
    %shift_right_logical3A_166 = vector.broadcast %shift_right_logical3A_165 : i32 to vector<128x128xi32>
    %shift_right_logical3A_167 = arith.shrui %xor3A_160, %shift_right_logical3A_166 : vector<128x128xi32>
    %or3A_168 = arith.ori %shift_left3A_164, %shift_right_logical3A_167 : vector<128x128xi32>
    %xor3A_169 = arith.xori %add3A_161, %or3A_168 : vector<128x128xi32>
    %add3A_170 = arith.constant 42 : i32
    %add3A_171 = vector.broadcast %add3A_170 : i32 to vector<128x128xi32>
    %add3A_172 = arith.addi %add3A_161, %add3A_171 : vector<128x128xi32>
    %add3A_173 = arith.constant 466689012 : i32
    %add3A_174 = vector.broadcast %add3A_173 : i32 to vector<128x128xi32>
    %add3A_175 = arith.addi %xor3A_169, %add3A_174 : vector<128x128xi32>
    %add3A_176 = arith.addi %add3A_172, %add3A_175 : vector<128x128xi32>
    %shift_left3A_177 = arith.constant 13 : i32
    %shift_left3A_178 = vector.broadcast %shift_left3A_177 : i32 to vector<128x128xi32>
    %shift_left3A_179 = arith.shli %add3A_175, %shift_left3A_178 : vector<128x128xi32>
    %shift_right_logical3A_180 = arith.constant 19 : i32
    %shift_right_logical3A_181 = vector.broadcast %shift_right_logical3A_180 : i32 to vector<128x128xi32>
    %shift_right_logical3A_182 = arith.shrui %add3A_175, %shift_right_logical3A_181 : vector<128x128xi32>
    %or3A_183 = arith.ori %shift_left3A_179, %shift_right_logical3A_182 : vector<128x128xi32>
    %xor3A_184 = arith.xori %add3A_176, %or3A_183 : vector<128x128xi32>
    %add3A_185 = arith.addi %add3A_176, %xor3A_184 : vector<128x128xi32>
    %shift_left3A_186 = arith.constant 15 : i32
    %shift_left3A_187 = vector.broadcast %shift_left3A_186 : i32 to vector<128x128xi32>
    %shift_left3A_188 = arith.shli %xor3A_184, %shift_left3A_187 : vector<128x128xi32>
    %shift_right_logical3A_189 = arith.constant 17 : i32
    %shift_right_logical3A_190 = vector.broadcast %shift_right_logical3A_189 : i32 to vector<128x128xi32>
    %shift_right_logical3A_191 = arith.shrui %xor3A_184, %shift_right_logical3A_190 : vector<128x128xi32>
    %or3A_192 = arith.ori %shift_left3A_188, %shift_right_logical3A_191 : vector<128x128xi32>
    %xor3A_193 = arith.xori %add3A_185, %or3A_192 : vector<128x128xi32>
    %add3A_194 = arith.addi %add3A_185, %xor3A_193 : vector<128x128xi32>
    %shift_left3A_195 = arith.constant 26 : i32
    %shift_left3A_196 = vector.broadcast %shift_left3A_195 : i32 to vector<128x128xi32>
    %shift_left3A_197 = arith.shli %xor3A_193, %shift_left3A_196 : vector<128x128xi32>
    %shift_right_logical3A_198 = arith.constant 6 : i32
    %shift_right_logical3A_199 = vector.broadcast %shift_right_logical3A_198 : i32 to vector<128x128xi32>
    %shift_right_logical3A_200 = arith.shrui %xor3A_193, %shift_right_logical3A_199 : vector<128x128xi32>
    %or3A_201 = arith.ori %shift_left3A_197, %shift_right_logical3A_200 : vector<128x128xi32>
    %xor3A_202 = arith.xori %add3A_194, %or3A_201 : vector<128x128xi32>
    %add3A_203 = arith.addi %add3A_194, %xor3A_202 : vector<128x128xi32>
    %shift_left3A_204 = arith.constant 6 : i32
    %shift_left3A_205 = vector.broadcast %shift_left3A_204 : i32 to vector<128x128xi32>
    %shift_left3A_206 = arith.shli %xor3A_202, %shift_left3A_205 : vector<128x128xi32>
    %shift_right_logical3A_207 = arith.constant 26 : i32
    %shift_right_logical3A_208 = vector.broadcast %shift_right_logical3A_207 : i32 to vector<128x128xi32>
    %shift_right_logical3A_209 = arith.shrui %xor3A_202, %shift_right_logical3A_208 : vector<128x128xi32>
    %or3A_210 = arith.ori %shift_left3A_206, %shift_right_logical3A_209 : vector<128x128xi32>
    %xor3A_211 = arith.xori %add3A_203, %or3A_210 : vector<128x128xi32>
    %add3A_212 = arith.constant 466689008 : i32
    %add3A_213 = vector.broadcast %add3A_212 : i32 to vector<128x128xi32>
    %add3A_214 = arith.addi %add3A_203, %add3A_213 : vector<128x128xi32>
    %add3A_215 = arith.constant 5 : i32
    %add3A_216 = vector.broadcast %add3A_215 : i32 to vector<128x128xi32>
    %add3A_217 = arith.addi %xor3A_211, %add3A_216 : vector<128x128xi32>
    %xor3A_218 = arith.xori %add3A_214, %add3A_217 : vector<128x128xi32>
    %shift_right_logical3A_219 = arith.constant 9 : i32
    %shift_right_logical3A_220 = vector.broadcast %shift_right_logical3A_219 : i32 to vector<128x128xi32>
    %shift_right_logical3A_221 = arith.shrui %xor3A_218, %shift_right_logical3A_220 : vector<128x128xi32>
    %or3A_222 = arith.constant 1065353216 : i32
    %or3A_223 = vector.broadcast %or3A_222 : i32 to vector<128x128xi32>
    %or3A_224 = arith.ori %shift_right_logical3A_221, %or3A_223 : vector<128x128xi32>
    %bitcast_convert_type3A = tpu.bitcast %or3A_224 : vector<128x128xi32> -> vector<128x128xf32>
    %sub3A = arith.constant 1.000000e+00 : f32
    %sub3A_225 = vector.broadcast %sub3A : f32 to vector<128x128xf32>
    %sub3A_226 = arith.subf %bitcast_convert_type3A, %sub3A_225 : vector<128x128xf32>
    %mul3A_227 = arith.constant 2.000000e+00 : f32
    %mul3A_228 = vector.broadcast %mul3A_227 : f32 to vector<128x128xf32>
    %mul3A_229 = arith.mulf %sub3A_226, %mul3A_228 : vector<128x128xf32>
    %add3A_230 = arith.constant -0.99999994 : f32
    %add3A_231 = vector.broadcast %add3A_230 : f32 to vector<128x128xf32>
    %add3A_232 = arith.addf %mul3A_229, %add3A_231 : vector<128x128xf32>
    %mul3A_233 = arith.mulf %add3A_232, %add3A_232 : vector<128x128xf32>
    %sub3A_234 = arith.constant 1.000000e+00 : f32
    %sub3A_235 = vector.broadcast %sub3A_234 : f32 to vector<128x128xf32>
    %sub3A_236 = arith.subf %sub3A_235, %mul3A_233 : vector<128x128xf32>
    %log3A = math.log %sub3A_236 : vector<128x128xf32>
    %neg3A = arith.constant 0.000000e+00 : f32
    %neg3A_237 = vector.broadcast %neg3A : f32 to vector<128x128xf32>
    %neg3A_238 = arith.subf %neg3A_237, %log3A : vector<128x128xf32>
    %lt3A = arith.constant 5.000000e+00 : f32
    %lt3A_239 = vector.broadcast %lt3A : f32 to vector<128x128xf32>
    %lt3A_240 = arith.cmpf olt, %neg3A_238, %lt3A_239 : vector<128x128xf32>
    %sub3A_241 = arith.constant 2.500000e+00 : f32
    %sub3A_242 = vector.broadcast %sub3A_241 : f32 to vector<128x128xf32>
    %sub3A_243 = arith.subf %neg3A_238, %sub3A_242 : vector<128x128xf32>
    %sqrt3A = math.sqrt %neg3A_238 : vector<128x128xf32>
    %sub3A_244 = arith.constant 3.000000e+00 : f32
    %sub3A_245 = vector.broadcast %sub3A_244 : f32 to vector<128x128xf32>
    %sub3A_246 = arith.subf %sqrt3A, %sub3A_245 : vector<128x128xf32>
    %select_n3A = arith.select %lt3A_240, %sub3A_243, %sub3A_246 : vector<128x128xi1>, vector<128x128xf32>
    %jit3A = arith.constant 2.68603879E-4 : f32
    %jit3A_247 = arith.constant 0.0112847611 : f32
    %broadcast_in_dim3A = vector.broadcast %jit3A : f32 to vector<128x128xf32>
    %broadcast_in_dim3A_248 = vector.broadcast %jit3A_247 : f32 to vector<128x128xf32>
    %select_n3A_249 = arith.select %lt3A_240, %broadcast_in_dim3A, %broadcast_in_dim3A_248 : vector<128x128xi1>, vector<128x128xf32>
    %jit3A_250 = arith.constant -0.00179882906 : f32
    %jit3A_251 = arith.constant -0.0149701508 : f32
    %broadcast_in_dim3A_252 = vector.broadcast %jit3A_250 : f32 to vector<128x128xf32>
    %broadcast_in_dim3A_253 = vector.broadcast %jit3A_251 : f32 to vector<128x128xf32>
    %select_n3A_254 = arith.select %lt3A_240, %broadcast_in_dim3A_252, %broadcast_in_dim3A_253 : vector<128x128xi1>, vector<128x128xf32>
    %mul3A_255 = arith.mulf %select_n3A_249, %select_n3A : vector<128x128xf32>
    %add3A_256 = arith.addf %select_n3A_254, %mul3A_255 : vector<128x128xf32>
    %jit3A_257 = arith.constant -0.00582481688 : f32
    %jit3A_258 = arith.constant 0.0111749563 : f32
    %broadcast_in_dim3A_259 = vector.broadcast %jit3A_257 : f32 to vector<128x128xf32>
    %broadcast_in_dim3A_260 = vector.broadcast %jit3A_258 : f32 to vector<128x128xf32>
    %select_n3A_261 = arith.select %lt3A_240, %broadcast_in_dim3A_259, %broadcast_in_dim3A_260 : vector<128x128xi1>, vector<128x128xf32>
    %mul3A_262 = arith.mulf %add3A_256, %select_n3A : vector<128x128xf32>
    %add3A_263 = arith.addf %select_n3A_261, %mul3A_262 : vector<128x128xf32>
    %jit3A_264 = arith.constant 0.348833501 : f32
    %jit3A_265 = arith.constant 1.41679764 : f32
    %broadcast_in_dim3A_266 = vector.broadcast %jit3A_264 : f32 to vector<128x128xf32>
    %broadcast_in_dim3A_267 = vector.broadcast %jit3A_265 : f32 to vector<128x128xf32>
    %select_n3A_268 = arith.select %lt3A_240, %broadcast_in_dim3A_266, %broadcast_in_dim3A_267 : vector<128x128xi1>, vector<128x128xf32>
    %mul3A_269 = arith.mulf %add3A_263, %select_n3A : vector<128x128xf32>
    %add3A_270 = arith.addf %select_n3A_268, %mul3A_269 : vector<128x128xf32>
    %jit3A_271 = arith.constant 2.12328982 : f32
    %jit3A_272 = arith.constant 4.00653839 : f32
    %broadcast_in_dim3A_273 = vector.broadcast %jit3A_271 : f32 to vector<128x128xf32>
    %broadcast_in_dim3A_274 = vector.broadcast %jit3A_272 : f32 to vector<128x128xf32>
    %select_n3A_275 = arith.select %lt3A_240, %broadcast_in_dim3A_273, %broadcast_in_dim3A_274 : vector<128x128xi1>, vector<128x128xf32>
    %mul3A_276 = arith.mulf %add3A_270, %select_n3A : vector<128x128xf32>
    %add3A_277 = arith.addf %select_n3A_275, %mul3A_276 : vector<128x128xf32>
    %mul3A_278 = arith.mulf %add3A_277, %add3A_232 : vector<128x128xf32>
    %slice3A = vector.extract_strided_slice %transpose3A {offsets = [0, 0], sizes = [128, 1], strides = [1, 1]} : vector<128x8xf32> to vector<128x1xf32>
    %mul3A_279 = vector.broadcast %slice3A : vector<128x1xf32> to vector<128x128xf32>
    %mul3A_280 = arith.mulf %mul3A_278, %mul3A_279 : vector<128x128xf32>
    %swap3A = arith.constant 0 : index
    %swap3A_281 = arith.constant 0 : index
    %swap3A_282 = vector.load %arg2[%swap3A, %swap3A_281] : memref<1024x128xf32, #tpu.memory_space<vmem>>, vector<128x128xf32>
    tpu.vector_store %arg2[%swap3A, %swap3A_281], %mul3A_280 {strides = array<i32>} : memref<1024x128xf32, #tpu.memory_space<vmem>>, vector<128x128xf32>,
    %add3A_283 = arith.constant 16384 : i32
    %add3A_284 = arith.addi %mul3A_0, %add3A_283 : i32
    %add3A_285 = arith.constant 42 : i32
    %add3A_286 = arith.addi %add3A_284, %add3A_285 : i32
    %add3A_287 = vector.broadcast %add3A_286 : i32 to vector<128x128xi32>
    %add3A_288 = arith.addi %add3A, %add3A_287 : vector<128x128xi32>
    %shift_left3A_289 = arith.constant 13 : i32
    %shift_left3A_290 = vector.broadcast %shift_left3A_289 : i32 to vector<128x128xi32>
    %shift_left3A_291 = arith.shli %add3A_288, %shift_left3A_290 : vector<128x128xi32>
    %shift_right_logical3A_292 = arith.constant 19 : i32
    %shift_right_logical3A_293 = vector.broadcast %shift_right_logical3A_292 : i32 to vector<128x128xi32>
    %shift_right_logical3A_294 = arith.shrui %add3A_288, %shift_right_logical3A_293 : vector<128x128xi32>
    %or3A_295 = arith.ori %shift_left3A_291, %shift_right_logical3A_294 : vector<128x128xi32>
    %xor3A_296 = arith.xori %or3A_295, %add3A_288 : vector<128x128xi32>
    %add3A_297 = arith.addi %add3A_288, %xor3A_296 : vector<128x128xi32>
    %shift_left3A_298 = arith.constant 15 : i32
    %shift_left3A_299 = vector.broadcast %shift_left3A_298 : i32 to vector<128x128xi32>
    %shift_left3A_300 = arith.shli %xor3A_296, %shift_left3A_299 : vector<128x128xi32>
    %shift_right_logical3A_301 = arith.constant 17 : i32
    %shift_right_logical3A_302 = vector.broadcast %shift_right_logical3A_301 : i32 to vector<128x128xi32>
    %shift_right_logical3A_303 = arith.shrui %xor3A_296, %shift_right_logical3A_302 : vector<128x128xi32>
    %or3A_304 = arith.ori %shift_left3A_300, %shift_right_logical3A_303 : vector<128x128xi32>
    %xor3A_305 = arith.xori %add3A_297, %or3A_304 : vector<128x128xi32>
    %add3A_306 = arith.addi %add3A_297, %xor3A_305 : vector<128x128xi32>
    %shift_left3A_307 = arith.constant 26 : i32
    %shift_left3A_308 = vector.broadcast %shift_left3A_307 : i32 to vector<128x128xi32>
    %shift_left3A_309 = arith.shli %xor3A_305, %shift_left3A_308 : vector<128x128xi32>
    %shift_right_logical3A_310 = arith.constant 6 : i32
    %shift_right_logical3A_311 = vector.broadcast %shift_right_logical3A_310 : i32 to vector<128x128xi32>
    %shift_right_logical3A_312 = arith.shrui %xor3A_305, %shift_right_logical3A_311 : vector<128x128xi32>
    %or3A_313 = arith.ori %shift_left3A_309, %shift_right_logical3A_312 : vector<128x128xi32>
    %xor3A_314 = arith.xori %add3A_306, %or3A_313 : vector<128x128xi32>
    %add3A_315 = arith.addi %add3A_306, %xor3A_314 : vector<128x128xi32>
    %shift_left3A_316 = arith.constant 6 : i32
    %shift_left3A_317 = vector.broadcast %shift_left3A_316 : i32 to vector<128x128xi32>
    %shift_left3A_318 = arith.shli %xor3A_314, %shift_left3A_317 : vector<128x128xi32>
    %shift_right_logical3A_319 = arith.constant 26 : i32
    %shift_right_logical3A_320 = vector.broadcast %shift_right_logical3A_319 : i32 to vector<128x128xi32>
    %shift_right_logical3A_321 = arith.shrui %xor3A_314, %shift_right_logical3A_320 : vector<128x128xi32>
    %or3A_322 = arith.ori %shift_left3A_318, %shift_right_logical3A_321 : vector<128x128xi32>
    %xor3A_323 = arith.xori %add3A_315, %or3A_322 : vector<128x128xi32>
    %add3A_324 = arith.constant 42 : i32
    %add3A_325 = vector.broadcast %add3A_324 : i32 to vector<128x128xi32>
    %add3A_326 = arith.addi %add3A_315, %add3A_325 : vector<128x128xi32>
    %add3A_327 = arith.constant 466689009 : i32
    %add3A_328 = vector.broadcast %add3A_327 : i32 to vector<128x128xi32>
    %add3A_329 = arith.addi %xor3A_323, %add3A_328 : vector<128x128xi32>
    %add3A_330 = arith.addi %add3A_326, %add3A_329 : vector<128x128xi32>
    %shift_left3A_331 = arith.constant 17 : i32
    %shift_left3A_332 = vector.broadcast %shift_left3A_331 : i32 to vector<128x128xi32>
    %shift_left3A_333 = arith.shli %add3A_329, %shift_left3A_332 : vector<128x128xi32>
    %shift_right_logical3A_334 = arith.constant 15 : i32
    %shift_right_logical3A_335 = vector.broadcast %shift_right_logical3A_334 : i32 to vector<128x128xi32>
    %shift_right_logical3A_336 = arith.shrui %add3A_329, %shift_right_logical3A_335 : vector<128x128xi32>
    %or3A_337 = arith.ori %shift_left3A_333, %shift_right_logical3A_336 : vector<128x128xi32>
    %xor3A_338 = arith.xori %add3A_330, %or3A_337 : vector<128x128xi32>
    %add3A_339 = arith.addi %add3A_330, %xor3A_338 : vector<128x128xi32>
    %shift_left3A_340 = arith.constant 29 : i32
    %shift_left3A_341 = vector.broadcast %shift_left3A_340 : i32 to vector<128x128xi32>
    %shift_left3A_342 = arith.shli %xor3A_338, %shift_left3A_341 : vector<128x128xi32>
    %shift_right_logical3A_343 = arith.constant 3 : i32
    %shift_right_logical3A_344 = vector.broadcast %shift_right_logical3A_343 : i32 to vector<128x128xi32>
    %shift_right_logical3A_345 = arith.shrui %xor3A_338, %shift_right_logical3A_344 : vector<128x128xi32>
    %or3A_346 = arith.ori %shift_left3A_342, %shift_right_logical3A_345 : vector<128x128xi32>
    %xor3A_347 = arith.xori %add3A_339, %or3A_346 : vector<128x128xi32>
    %add3A_348 = arith.addi %add3A_339, %xor3A_347 : vector<128x128xi32>
    %shift_left3A_349 = arith.constant 16 : i32
    %shift_left3A_350 = vector.broadcast %shift_left3A_349 : i32 to vector<128x128xi32>
    %shift_left3A_351 = arith.shli %xor3A_347, %shift_left3A_350 : vector<128x128xi32>
    %shift_right_logical3A_352 = arith.constant 16 : i32
    %shift_right_logical3A_353 = vector.broadcast %shift_right_logical3A_352 : i32 to vector<128x128xi32>
    %shift_right_logical3A_354 = arith.shrui %xor3A_347, %shift_right_logical3A_353 : vector<128x128xi32>
    %or3A_355 = arith.ori %shift_left3A_351, %shift_right_logical3A_354 : vector<128x128xi32>
    %xor3A_356 = arith.xori %add3A_348, %or3A_355 : vector<128x128xi32>
    %add3A_357 = arith.addi %add3A_348, %xor3A_356 : vector<128x128xi32>
    %shift_left3A_358 = arith.constant 24 : i32
    %shift_left3A_359 = vector.broadcast %shift_left3A_358 : i32 to vector<128x128xi32>
    %shift_left3A_360 = arith.shli %xor3A_356, %shift_left3A_359 : vector<128x128xi32>
    %shift_right_logical3A_361 = arith.constant 8 : i32
    %shift_right_logical3A_362 = vector.broadcast %shift_right_logical3A_361 : i32 to vector<128x128xi32>
    %shift_right_logical3A_363 = arith.shrui %xor3A_356, %shift_right_logical3A_362 : vector<128x128xi32>
    %or3A_364 = arith.ori %shift_left3A_360, %shift_right_logical3A_363 : vector<128x128xi32>
    %xor3A_365 = arith.xori %add3A_357, %or3A_364 : vector<128x128xi32>
    %add3A_366 = arith.constant 466689008 : i32
    %add3A_367 = vector.broadcast %add3A_366 : i32 to vector<128x128xi32>
    %add3A_368 = arith.addi %add3A_357, %add3A_367 : vector<128x128xi32>
    %add3A_369 = arith.constant 2 : i32
    %add3A_370 = vector.broadcast %add3A_369 : i32 to vector<128x128xi32>
    %add3A_371 = arith.addi %xor3A_365, %add3A_370 : vector<128x128xi32>
    %add3A_372 = arith.addi %add3A_368, %add3A_371 : vector<128x128xi32>
    %shift_left3A_373 = arith.constant 13 : i32
    %shift_left3A_374 = vector.broadcast %shift_left3A_373 : i32 to vector<128x128xi32>
    %shift_left3A_375 = arith.shli %add3A_371, %shift_left3A_374 : vector<128x128xi32>
    %shift_right_logical3A_376 = arith.constant 19 : i32
    %shift_right_logical3A_377 = vector.broadcast %shift_right_logical3A_376 : i32 to vector<128x128xi32>
    %shift_right_logical3A_378 = arith.shrui %add3A_371, %shift_right_logical3A_377 : vector<128x128xi32>
    %or3A_379 = arith.ori %shift_left3A_375, %shift_right_logical3A_378 : vector<128x128xi32>
    %xor3A_380 = arith.xori %add3A_372, %or3A_379 : vector<128x128xi32>
    %add3A_381 = arith.addi %add3A_372, %xor3A_380 : vector<128x128xi32>
    %shift_left3A_382 = arith.constant 15 : i32
    %shift_left3A_383 = vector.broadcast %shift_left3A_382 : i32 to vector<128x128xi32>
    %shift_left3A_384 = arith.shli %xor3A_380, %shift_left3A_383 : vector<128x128xi32>
    %shift_right_logical3A_385 = arith.constant 17 : i32
    %shift_right_logical3A_386 = vector.broadcast %shift_right_logical3A_385 : i32 to vector<128x128xi32>
    %shift_right_logical3A_387 = arith.shrui %xor3A_380, %shift_right_logical3A_386 : vector<128x128xi32>
    %or3A_388 = arith.ori %shift_left3A_384, %shift_right_logical3A_387 : vector<128x128xi32>
    %xor3A_389 = arith.xori %add3A_381, %or3A_388 : vector<128x128xi32>
    %add3A_390 = arith.addi %add3A_381, %xor3A_389 : vector<128x128xi32>
    %shift_left3A_391 = arith.constant 26 : i32
    %shift_left3A_392 = vector.broadcast %shift_left3A_391 : i32 to vector<128x128xi32>
    %shift_left3A_393 = arith.shli %xor3A_389, %shift_left3A_392 : vector<128x128xi32>
    %shift_right_logical3A_394 = arith.constant 6 : i32
    %shift_right_logical3A_395 = vector.broadcast %shift_right_logical3A_394 : i32 to vector<128x128xi32>
    %shift_right_logical3A_396 = arith.shrui %xor3A_389, %shift_right_logical3A_395 : vector<128x128xi32>
    %or3A_397 = arith.ori %shift_left3A_393, %shift_right_logical3A_396 : vector<128x128xi32>
    %xor3A_398 = arith.xori %add3A_390, %or3A_397 : vector<128x128xi32>
    %add3A_399 = arith.addi %add3A_390, %xor3A_398 : vector<128x128xi32>
    %shift_left3A_400 = arith.constant 6 : i32
    %shift_left3A_401 = vector.broadcast %shift_left3A_400 : i32 to vector<128x128xi32>
    %shift_left3A_402 = arith.shli %xor3A_398, %shift_left3A_401 : vector<128x128xi32>
    %shift_right_logical3A_403 = arith.constant 26 : i32
    %shift_right_logical3A_404 = vector.broadcast %shift_right_logical3A_403 : i32 to vector<128x128xi32>
    %shift_right_logical3A_405 = arith.shrui %xor3A_398, %shift_right_logical3A_404 : vector<128x128xi32>
    %or3A_406 = arith.ori %shift_left3A_402, %shift_right_logical3A_405 : vector<128x128xi32>
    %xor3A_407 = arith.xori %add3A_399, %or3A_406 : vector<128x128xi32>
    %add3A_408 = arith.constant 0 : i32
    %add3A_409 = vector.broadcast %add3A_408 : i32 to vector<128x128xi32>
    %add3A_410 = arith.addi %add3A_399, %add3A_409 : vector<128x128xi32>
    %add3A_411 = arith.constant 45 : i32
    %add3A_412 = vector.broadcast %add3A_411 : i32 to vector<128x128xi32>
    %add3A_413 = arith.addi %xor3A_407, %add3A_412 : vector<128x128xi32>
    %add3A_414 = arith.addi %add3A_410, %add3A_413 : vector<128x128xi32>
    %shift_left3A_415 = arith.constant 17 : i32
    %shift_left3A_416 = vector.broadcast %shift_left3A_415 : i32 to vector<128x128xi32>
    %shift_left3A_417 = arith.shli %add3A_413, %shift_left3A_416 : vector<128x128xi32>
    %shift_right_logical3A_418 = arith.constant 15 : i32
    %shift_right_logical3A_419 = vector.broadcast %shift_right_logical3A_418 : i32 to vector<128x128xi32>
    %shift_right_logical3A_420 = arith.shrui %add3A_413, %shift_right_logical3A_419 : vector<128x128xi32>
    %or3A_421 = arith.ori %shift_left3A_417, %shift_right_logical3A_420 : vector<128x128xi32>
    %xor3A_422 = arith.xori %add3A_414, %or3A_421 : vector<128x128xi32>
    %add3A_423 = arith.addi %add3A_414, %xor3A_422 : vector<128x128xi32>
    %shift_left3A_424 = arith.constant 29 : i32
    %shift_left3A_425 = vector.broadcast %shift_left3A_424 : i32 to vector<128x128xi32>
    %shift_left3A_426 = arith.shli %xor3A_422, %shift_left3A_425 : vector<128x128xi32>
    %shift_right_logical3A_427 = arith.constant 3 : i32
    %shift_right_logical3A_428 = vector.broadcast %shift_right_logical3A_427 : i32 to vector<128x128xi32>
    %shift_right_logical3A_429 = arith.shrui %xor3A_422, %shift_right_logical3A_428 : vector<128x128xi32>
    %or3A_430 = arith.ori %shift_left3A_426, %shift_right_logical3A_429 : vector<128x128xi32>
    %xor3A_431 = arith.xori %add3A_423, %or3A_430 : vector<128x128xi32>
    %add3A_432 = arith.addi %add3A_423, %xor3A_431 : vector<128x128xi32>
    %shift_left3A_433 = arith.constant 16 : i32
    %shift_left3A_434 = vector.broadcast %shift_left3A_433 : i32 to vector<128x128xi32>
    %shift_left3A_435 = arith.shli %xor3A_431, %shift_left3A_434 : vector<128x128xi32>
    %shift_right_logical3A_436 = arith.constant 16 : i32
    %shift_right_logical3A_437 = vector.broadcast %shift_right_logical3A_436 : i32 to vector<128x128xi32>
    %shift_right_logical3A_438 = arith.shrui %xor3A_431, %shift_right_logical3A_437 : vector<128x128xi32>
    %or3A_439 = arith.ori %shift_left3A_435, %shift_right_logical3A_438 : vector<128x128xi32>
    %xor3A_440 = arith.xori %add3A_432, %or3A_439 : vector<128x128xi32>
    %add3A_441 = arith.addi %add3A_432, %xor3A_440 : vector<128x128xi32>
    %shift_left3A_442 = arith.constant 24 : i32
    %shift_left3A_443 = vector.broadcast %shift_left3A_442 : i32 to vector<128x128xi32>
    %shift_left3A_444 = arith.shli %xor3A_440, %shift_left3A_443 : vector<128x128xi32>
    %shift_right_logical3A_445 = arith.constant 8 : i32
    %shift_right_logical3A_446 = vector.broadcast %shift_right_logical3A_445 : i32 to vector<128x128xi32>
    %shift_right_logical3A_447 = arith.shrui %xor3A_440, %shift_right_logical3A_446 : vector<128x128xi32>
    %or3A_448 = arith.ori %shift_left3A_444, %shift_right_logical3A_447 : vector<128x128xi32>
    %xor3A_449 = arith.xori %add3A_441, %or3A_448 : vector<128x128xi32>
    %add3A_450 = arith.constant 42 : i32
    %add3A_451 = vector.broadcast %add3A_450 : i32 to vector<128x128xi32>
    %add3A_452 = arith.addi %add3A_441, %add3A_451 : vector<128x128xi32>
    %add3A_453 = arith.constant 466689012 : i32
    %add3A_454 = vector.broadcast %add3A_453 : i32 to vector<128x128xi32>
    %add3A_455 = arith.addi %xor3A_449, %add3A_454 : vector<128x128xi32>
    %add3A_456 = arith.addi %add3A_452, %add3A_455 : vector<128x128xi32>
    %shift_left3A_457 = arith.constant 13 : i32
    %shift_left3A_458 = vector.broadcast %shift_left3A_457 : i32 to vector<128x128xi32>
    %shift_left3A_459 = arith.shli %add3A_455, %shift_left3A_458 : vector<128x128xi32>
    %shift_right_logical3A_460 = arith.constant 19 : i32
    %shift_right_logical3A_461 = vector.broadcast %shift_right_logical3A_460 : i32 to vector<128x128xi32>
    %shift_right_logical3A_462 = arith.shrui %add3A_455, %shift_right_logical3A_461 : vector<128x128xi32>
    %or3A_463 = arith.ori %shift_left3A_459, %shift_right_logical3A_462 : vector<128x128xi32>
    %xor3A_464 = arith.xori %add3A_456, %or3A_463 : vector<128x128xi32>
    %add3A_465 = arith.addi %add3A_456, %xor3A_464 : vector<128x128xi32>
    %shift_left3A_466 = arith.constant 15 : i32
    %shift_left3A_467 = vector.broadcast %shift_left3A_466 : i32 to vector<128x128xi32>
    %shift_left3A_468 = arith.shli %xor3A_464, %shift_left3A_467 : vector<128x128xi32>
    %shift_right_logical3A_469 = arith.constant 17 : i32
    %shift_right_logical3A_470 = vector.broadcast %shift_right_logical3A_469 : i32 to vector<128x128xi32>
    %shift_right_logical3A_471 = arith.shrui %xor3A_464, %shift_right_logical3A_470 : vector<128x128xi32>
    %or3A_472 = arith.ori %shift_left3A_468, %shift_right_logical3A_471 : vector<128x128xi32>
    %xor3A_473 = arith.xori %add3A_465, %or3A_472 : vector<128x128xi32>
    %add3A_474 = arith.addi %add3A_465, %xor3A_473 : vector<128x128xi32>
    %shift_left3A_475 = arith.constant 26 : i32
    %shift_left3A_476 = vector.broadcast %shift_left3A_475 : i32 to vector<128x128xi32>
    %shift_left3A_477 = arith.shli %xor3A_473, %shift_left3A_476 : vector<128x128xi32>
    %shift_right_logical3A_478 = arith.constant 6 : i32
    %shift_right_logical3A_479 = vector.broadcast %shift_right_logical3A_478 : i32 to vector<128x128xi32>
    %shift_right_logical3A_480 = arith.shrui %xor3A_473, %shift_right_logical3A_479 : vector<128x128xi32>
    %or3A_481 = arith.ori %shift_left3A_477, %shift_right_logical3A_480 : vector<128x128xi32>
    %xor3A_482 = arith.xori %add3A_474, %or3A_481 : vector<128x128xi32>
    %add3A_483 = arith.addi %add3A_474, %xor3A_482 : vector<128x128xi32>
    %shift_left3A_484 = arith.constant 6 : i32
    %shift_left3A_485 = vector.broadcast %shift_left3A_484 : i32 to vector<128x128xi32>
    %shift_left3A_486 = arith.shli %xor3A_482, %shift_left3A_485 : vector<128x128xi32>
    %shift_right_logical3A_487 = arith.constant 26 : i32
    %shift_right_logical3A_488 = vector.broadcast %shift_right_logical3A_487 : i32 to vector<128x128xi32>
    %shift_right_logical3A_489 = arith.shrui %xor3A_482, %shift_right_logical3A_488 : vector<128x128xi32>
    %or3A_490 = arith.ori %shift_left3A_486, %shift_right_logical3A_489 : vector<128x128xi32>
    %xor3A_491 = arith.xori %add3A_483, %or3A_490 : vector<128x128xi32>
    %add3A_492 = arith.constant 466689008 : i32
    %add3A_493 = vector.broadcast %add3A_492 : i32 to vector<128x128xi32>
    %add3A_494 = arith.addi %add3A_483, %add3A_493 : vector<128x128xi32>
    %add3A_495 = arith.constant 5 : i32
    %add3A_496 = vector.broadcast %add3A_495 : i32 to vector<128x128xi32>
    %add3A_497 = arith.addi %xor3A_491, %add3A_496 : vector<128x128xi32>
    %xor3A_498 = arith.xori %add3A_494, %add3A_497 : vector<128x128xi32>
    %shift_right_logical3A_499 = arith.constant 9 : i32
    %shift_right_logical3A_500 = vector.broadcast %shift_right_logical3A_499 : i32 to vector<128x128xi32>
    %shift_right_logical3A_501 = arith.shrui %xor3A_498, %shift_right_logical3A_500 : vector<128x128xi32>
    %or3A_502 = arith.constant 1065353216 : i32
    %or3A_503 = vector.broadcast %or3A_502 : i32 to vector<128x128xi32>
    %or3A_504 = arith.ori %shift_right_logical3A_501, %or3A_503 : vector<128x128xi32>
    %bitcast_convert_type3A_505 = tpu.bitcast %or3A_504 : vector<128x128xi32> -> vector<128x128xf32>
    %sub3A_506 = arith.constant 1.000000e+00 : f32
    %sub3A_507 = vector.broadcast %sub3A_506 : f32 to vector<128x128xf32>
    %sub3A_508 = arith.subf %bitcast_convert_type3A_505, %sub3A_507 : vector<128x128xf32>
    %mul3A_509 = arith.constant 2.000000e+00 : f32
    %mul3A_510 = vector.broadcast %mul3A_509 : f32 to vector<128x128xf32>
    %mul3A_511 = arith.mulf %sub3A_508, %mul3A_510 : vector<128x128xf32>
    %add3A_512 = arith.constant -0.99999994 : f32
    %add3A_513 = vector.broadcast %add3A_512 : f32 to vector<128x128xf32>
    %add3A_514 = arith.addf %mul3A_511, %add3A_513 : vector<128x128xf32>
    %mul3A_515 = arith.mulf %add3A_514, %add3A_514 : vector<128x128xf32>
    %sub3A_516 = arith.constant 1.000000e+00 : f32
    %sub3A_517 = vector.broadcast %sub3A_516 : f32 to vector<128x128xf32>
    %sub3A_518 = arith.subf %sub3A_517, %mul3A_515 : vector<128x128xf32>
    %log3A_519 = math.log %sub3A_518 : vector<128x128xf32>
    %neg3A_520 = arith.constant 0.000000e+00 : f32
    %neg3A_521 = vector.broadcast %neg3A_520 : f32 to vector<128x128xf32>
    %neg3A_522 = arith.subf %neg3A_521, %log3A_519 : vector<128x128xf32>
    %lt3A_523 = arith.constant 5.000000e+00 : f32
    %lt3A_524 = vector.broadcast %lt3A_523 : f32 to vector<128x128xf32>
    %lt3A_525 = arith.cmpf olt, %neg3A_522, %lt3A_524 : vector<128x128xf32>
    %sub3A_526 = arith.constant 2.500000e+00 : f32
    %sub3A_527 = vector.broadcast %sub3A_526 : f32 to vector<128x128xf32>
    %sub3A_528 = arith.subf %neg3A_522, %sub3A_527 : vector<128x128xf32>
    %sqrt3A_529 = math.sqrt %neg3A_522 : vector<128x128xf32>
    %sub3A_530 = arith.constant 3.000000e+00 : f32
    %sub3A_531 = vector.broadcast %sub3A_530 : f32 to vector<128x128xf32>
    %sub3A_532 = arith.subf %sqrt3A_529, %sub3A_531 : vector<128x128xf32>
    %select_n3A_533 = arith.select %lt3A_525, %sub3A_528, %sub3A_532 : vector<128x128xi1>, vector<128x128xf32>
    %jit3A_534 = arith.constant 2.68603879E-4 : f32
    %jit3A_535 = arith.constant 0.0112847611 : f32
    %broadcast_in_dim3A_536 = vector.broadcast %jit3A_534 : f32 to vector<128x128xf32>
    %broadcast_in_dim3A_537 = vector.broadcast %jit3A_535 : f32 to vector<128x128xf32>
    %select_n3A_538 = arith.select %lt3A_525, %broadcast_in_dim3A_536, %broadcast_in_dim3A_537 : vector<128x128xi1>, vector<128x128xf32>
    %jit3A_539 = arith.constant -0.00179882906 : f32
    %jit3A_540 = arith.constant -0.0149701508 : f32
    %broadcast_in_dim3A_541 = vector.broadcast %jit3A_539 : f32 to vector<128x128xf32>
    %broadcast_in_dim3A_542 = vector.broadcast %jit3A_540 : f32 to vector<128x128xf32>
    %select_n3A_543 = arith.select %lt3A_525, %broadcast_in_dim3A_541, %broadcast_in_dim3A_542 : vector<128x128xi1>, vector<128x128xf32>
    %mul3A_544 = arith.mulf %select_n3A_538, %select_n3A_533 : vector<128x128xf32>
    %add3A_545 = arith.addf %select_n3A_543, %mul3A_544 : vector<128x128xf32>
    %jit3A_546 = arith.constant -0.00582481688 : f32
    %jit3A_547 = arith.constant 0.0111749563 : f32
    %broadcast_in_dim3A_548 = vector.broadcast %jit3A_546 : f32 to vector<128x128xf32>
    %broadcast_in_dim3A_549 = vector.broadcast %jit3A_547 : f32 to vector<128x128xf32>
    %select_n3A_550 = arith.select %lt3A_525, %broadcast_in_dim3A_548, %broadcast_in_dim3A_549 : vector<128x128xi1>, vector<128x128xf32>
    %mul3A_551 = arith.mulf %add3A_545, %select_n3A_533 : vector<128x128xf32>
    %add3A_552 = arith.addf %select_n3A_550, %mul3A_551 : vector<128x128xf32>
    %jit3A_553 = arith.constant 0.348833501 : f32
    %jit3A_554 = arith.constant 1.41679764 : f32
    %broadcast_in_dim3A_555 = vector.broadcast %jit3A_553 : f32 to vector<128x128xf32>
    %broadcast_in_dim3A_556 = vector.broadcast %jit3A_554 : f32 to vector<128x128xf32>
    %select_n3A_557 = arith.select %lt3A_525, %broadcast_in_dim3A_555, %broadcast_in_dim3A_556 : vector<128x128xi1>, vector<128x128xf32>
    %mul3A_558 = arith.mulf %add3A_552, %select_n3A_533 : vector<128x128xf32>
    %add3A_559 = arith.addf %select_n3A_557, %mul3A_558 : vector<128x128xf32>
    %jit3A_560 = arith.constant 2.12328982 : f32
    %jit3A_561 = arith.constant 4.00653839 : f32
    %broadcast_in_dim3A_562 = vector.broadcast %jit3A_560 : f32 to vector<128x128xf32>
    %broadcast_in_dim3A_563 = vector.broadcast %jit3A_561 : f32 to vector<128x128xf32>
    %select_n3A_564 = arith.select %lt3A_525, %broadcast_in_dim3A_562, %broadcast_in_dim3A_563 : vector<128x128xi1>, vector<128x128xf32>
    %mul3A_565 = arith.mulf %add3A_559, %select_n3A_533 : vector<128x128xf32>
    %add3A_566 = arith.addf %select_n3A_564, %mul3A_565 : vector<128x128xf32>
    %mul3A_567 = arith.mulf %add3A_566, %add3A_514 : vector<128x128xf32>
    %slice3A_568 = vector.extract_strided_slice %transpose3A {offsets = [0, 1], sizes = [128, 1], strides = [1, 1]} : vector<128x8xf32> to vector<128x1xf32>
    %mul3A_569 = vector.broadcast %slice3A_568 : vector<128x1xf32> to vector<128x128xf32>
    %mul3A_570 = arith.mulf %mul3A_567, %mul3A_569 : vector<128x128xf32>
    %swap3A_571 = arith.constant 128 : index
    %swap3A_572 = arith.constant 0 : index
    %swap3A_573 = vector.load %arg2[%swap3A_571, %swap3A_572] : memref<1024x128xf32, #tpu.memory_space<vmem>>, vector<128x128xf32>
    tpu.vector_store %arg2[%swap3A_571, %swap3A_572], %mul3A_570 {strides = array<i32>} : memref<1024x128xf32, #tpu.memory_space<vmem>>, vector<128x128xf32>,
    %add3A_574 = arith.constant 32768 : i32
    %add3A_575 = arith.addi %mul3A_0, %add3A_574 : i32
    %add3A_576 = arith.constant 42 : i32
    %add3A_577 = arith.addi %add3A_575, %add3A_576 : i32
    %add3A_578 = vector.broadcast %add3A_577 : i32 to vector<128x128xi32>
    %add3A_579 = arith.addi %add3A, %add3A_578 : vector<128x128xi32>
    %shift_left3A_580 = arith.constant 13 : i32
    %shift_left3A_581 = vector.broadcast %shift_left3A_580 : i32 to vector<128x128xi32>
    %shift_left3A_582 = arith.shli %add3A_579, %shift_left3A_581 : vector<128x128xi32>
    %shift_right_logical3A_583 = arith.constant 19 : i32
    %shift_right_logical3A_584 = vector.broadcast %shift_right_logical3A_583 : i32 to vector<128x128xi32>
    %shift_right_logical3A_585 = arith.shrui %add3A_579, %shift_right_logical3A_584 : vector<128x128xi32>
    %or3A_586 = arith.ori %shift_left3A_582, %shift_right_logical3A_585 : vector<128x128xi32>
    %xor3A_587 = arith.xori %or3A_586, %add3A_579 : vector<128x128xi32>
    %add3A_588 = arith.addi %add3A_579, %xor3A_587 : vector<128x128xi32>
    %shift_left3A_589 = arith.constant 15 : i32
    %shift_left3A_590 = vector.broadcast %shift_left3A_589 : i32 to vector<128x128xi32>
    %shift_left3A_591 = arith.shli %xor3A_587, %shift_left3A_590 : vector<128x128xi32>
    %shift_right_logical3A_592 = arith.constant 17 : i32
    %shift_right_logical3A_593 = vector.broadcast %shift_right_logical3A_592 : i32 to vector<128x128xi32>
    %shift_right_logical3A_594 = arith.shrui %xor3A_587, %shift_right_logical3A_593 : vector<128x128xi32>
    %or3A_595 = arith.ori %shift_left3A_591, %shift_right_logical3A_594 : vector<128x128xi32>
    %xor3A_596 = arith.xori %add3A_588, %or3A_595 : vector<128x128xi32>
    %add3A_597 = arith.addi %add3A_588, %xor3A_596 : vector<128x128xi32>
    %shift_left3A_598 = arith.constant 26 : i32
    %shift_left3A_599 = vector.broadcast %shift_left3A_598 : i32 to vector<128x128xi32>
    %shift_left3A_600 = arith.shli %xor3A_596, %shift_left3A_599 : vector<128x128xi32>
    %shift_right_logical3A_601 = arith.constant 6 : i32
    %shift_right_logical3A_602 = vector.broadcast %shift_right_logical3A_601 : i32 to vector<128x128xi32>
    %shift_right_logical3A_603 = arith.shrui %xor3A_596, %shift_right_logical3A_602 : vector<128x128xi32>
    %or3A_604 = arith.ori %shift_left3A_600, %shift_right_logical3A_603 : vector<128x128xi32>
    %xor3A_605 = arith.xori %add3A_597, %or3A_604 : vector<128x128xi32>
    %add3A_606 = arith.addi %add3A_597, %xor3A_605 : vector<128x128xi32>
    %shift_left3A_607 = arith.constant 6 : i32
    %shift_left3A_608 = vector.broadcast %shift_left3A_607 : i32 to vector<128x128xi32>
    %shift_left3A_609 = arith.shli %xor3A_605, %shift_left3A_608 : vector<128x128xi32>
    %shift_right_logical3A_610 = arith.constant 26 : i32
    %shift_right_logical3A_611 = vector.broadcast %shift_right_logical3A_610 : i32 to vector<128x128xi32>
    %shift_right_logical3A_612 = arith.shrui %xor3A_605, %shift_right_logical3A_611 : vector<128x128xi32>
    %or3A_613 = arith.ori %shift_left3A_609, %shift_right_logical3A_612 : vector<128x128xi32>
    %xor3A_614 = arith.xori %add3A_606, %or3A_613 : vector<128x128xi32>
    %add3A_615 = arith.constant 42 : i32
    %add3A_616 = vector.broadcast %add3A_615 : i32 to vector<128x128xi32>
    %add3A_617 = arith.addi %add3A_606, %add3A_616 : vector<128x128xi32>
    %add3A_618 = arith.constant 466689009 : i32
    %add3A_619 = vector.broadcast %add3A_618 : i32 to vector<128x128xi32>
    %add3A_620 = arith.addi %xor3A_614, %add3A_619 : vector<128x128xi32>
    %add3A_621 = arith.addi %add3A_617, %add3A_620 : vector<128x128xi32>
    %shift_left3A_622 = arith.constant 17 : i32
    %shift_left3A_623 = vector.broadcast %shift_left3A_622 : i32 to vector<128x128xi32>
    %shift_left3A_624 = arith.shli %add3A_620, %shift_left3A_623 : vector<128x128xi32>
    %shift_right_logical3A_625 = arith.constant 15 : i32
    %shift_right_logical3A_626 = vector.broadcast %shift_right_logical3A_625 : i32 to vector<128x128xi32>
    %shift_right_logical3A_627 = arith.shrui %add3A_620, %shift_right_logical3A_626 : vector<128x128xi32>
    %or3A_628 = arith.ori %shift_left3A_624, %shift_right_logical3A_627 : vector<128x128xi32>
    %xor3A_629 = arith.xori %add3A_621, %or3A_628 : vector<128x128xi32>
    %add3A_630 = arith.addi %add3A_621, %xor3A_629 : vector<128x128xi32>
    %shift_left3A_631 = arith.constant 29 : i32
    %shift_left3A_632 = vector.broadcast %shift_left3A_631 : i32 to vector<128x128xi32>
    %shift_left3A_633 = arith.shli %xor3A_629, %shift_left3A_632 : vector<128x128xi32>
    %shift_right_logical3A_634 = arith.constant 3 : i32
    %shift_right_logical3A_635 = vector.broadcast %shift_right_logical3A_634 : i32 to vector<128x128xi32>
    %shift_right_logical3A_636 = arith.shrui %xor3A_629, %shift_right_logical3A_635 : vector<128x128xi32>
    %or3A_637 = arith.ori %shift_left3A_633, %shift_right_logical3A_636 : vector<128x128xi32>
    %xor3A_638 = arith.xori %add3A_630, %or3A_637 : vector<128x128xi32>
    %add3A_639 = arith.addi %add3A_630, %xor3A_638 : vector<128x128xi32>
    %shift_left3A_640 = arith.constant 16 : i32
    %shift_left3A_641 = vector.broadcast %shift_left3A_640 : i32 to vector<128x128xi32>
    %shift_left3A_642 = arith.shli %xor3A_638, %shift_left3A_641 : vector<128x128xi32>
    %shift_right_logical3A_643 = arith.constant 16 : i32
    %shift_right_logical3A_644 = vector.broadcast %shift_right_logical3A_643 : i32 to vector<128x128xi32>
    %shift_right_logical3A_645 = arith.shrui %xor3A_638, %shift_right_logical3A_644 : vector<128x128xi32>
    %or3A_646 = arith.ori %shift_left3A_642, %shift_right_logical3A_645 : vector<128x128xi32>
    %xor3A_647 = arith.xori %add3A_639, %or3A_646 : vector<128x128xi32>
    %add3A_648 = arith.addi %add3A_639, %xor3A_647 : vector<128x128xi32>
    %shift_left3A_649 = arith.constant 24 : i32
    %shift_left3A_650 = vector.broadcast %shift_left3A_649 : i32 to vector<128x128xi32>
    %shift_left3A_651 = arith.shli %xor3A_647, %shift_left3A_650 : vector<128x128xi32>
    %shift_right_logical3A_652 = arith.constant 8 : i32
    %shift_right_logical3A_653 = vector.broadcast %shift_right_logical3A_652 : i32 to vector<128x128xi32>
    %shift_right_logical3A_654 = arith.shrui %xor3A_647, %shift_right_logical3A_653 : vector<128x128xi32>
    %or3A_655 = arith.ori %shift_left3A_651, %shift_right_logical3A_654 : vector<128x128xi32>
    %xor3A_656 = arith.xori %add3A_648, %or3A_655 : vector<128x128xi32>
    %add3A_657 = arith.constant 466689008 : i32
    %add3A_658 = vector.broadcast %add3A_657 : i32 to vector<128x128xi32>
    %add3A_659 = arith.addi %add3A_648, %add3A_658 : vector<128x128xi32>
    %add3A_660 = arith.constant 2 : i32
    %add3A_661 = vector.broadcast %add3A_660 : i32 to vector<128x128xi32>
    %add3A_662 = arith.addi %xor3A_656, %add3A_661 : vector<128x128xi32>
    %add3A_663 = arith.addi %add3A_659, %add3A_662 : vector<128x128xi32>
    %shift_left3A_664 = arith.constant 13 : i32
    %shift_left3A_665 = vector.broadcast %shift_left3A_664 : i32 to vector<128x128xi32>
    %shift_left3A_666 = arith.shli %add3A_662, %shift_left3A_665 : vector<128x128xi32>
    %shift_right_logical3A_667 = arith.constant 19 : i32
    %shift_right_logical3A_668 = vector.broadcast %shift_right_logical3A_667 : i32 to vector<128x128xi32>
    %shift_right_logical3A_669 = arith.shrui %add3A_662, %shift_right_logical3A_668 : vector<128x128xi32>
    %or3A_670 = arith.ori %shift_left3A_666, %shift_right_logical3A_669 : vector<128x128xi32>
    %xor3A_671 = arith.xori %add3A_663, %or3A_670 : vector<128x128xi32>
    %add3A_672 = arith.addi %add3A_663, %xor3A_671 : vector<128x128xi32>
    %shift_left3A_673 = arith.constant 15 : i32
    %shift_left3A_674 = vector.broadcast %shift_left3A_673 : i32 to vector<128x128xi32>
    %shift_left3A_675 = arith.shli %xor3A_671, %shift_left3A_674 : vector<128x128xi32>
    %shift_right_logical3A_676 = arith.constant 17 : i32
    %shift_right_logical3A_677 = vector.broadcast %shift_right_logical3A_676 : i32 to vector<128x128xi32>
    %shift_right_logical3A_678 = arith.shrui %xor3A_671, %shift_right_logical3A_677 : vector<128x128xi32>
    %or3A_679 = arith.ori %shift_left3A_675, %shift_right_logical3A_678 : vector<128x128xi32>
    %xor3A_680 = arith.xori %add3A_672, %or3A_679 : vector<128x128xi32>
    %add3A_681 = arith.addi %add3A_672, %xor3A_680 : vector<128x128xi32>
    %shift_left3A_682 = arith.constant 26 : i32
    %shift_left3A_683 = vector.broadcast %shift_left3A_682 : i32 to vector<128x128xi32>
    %shift_left3A_684 = arith.shli %xor3A_680, %shift_left3A_683 : vector<128x128xi32>
    %shift_right_logical3A_685 = arith.constant 6 : i32
    %shift_right_logical3A_686 = vector.broadcast %shift_right_logical3A_685 : i32 to vector<128x128xi32>
    %shift_right_logical3A_687 = arith.shrui %xor3A_680, %shift_right_logical3A_686 : vector<128x128xi32>
    %or3A_688 = arith.ori %shift_left3A_684, %shift_right_logical3A_687 : vector<128x128xi32>
    %xor3A_689 = arith.xori %add3A_681, %or3A_688 : vector<128x128xi32>
    %add3A_690 = arith.addi %add3A_681, %xor3A_689 : vector<128x128xi32>
    %shift_left3A_691 = arith.constant 6 : i32
    %shift_left3A_692 = vector.broadcast %shift_left3A_691 : i32 to vector<128x128xi32>
    %shift_left3A_693 = arith.shli %xor3A_689, %shift_left3A_692 : vector<128x128xi32>
    %shift_right_logical3A_694 = arith.constant 26 : i32
    %shift_right_logical3A_695 = vector.broadcast %shift_right_logical3A_694 : i32 to vector<128x128xi32>
    %shift_right_logical3A_696 = arith.shrui %xor3A_689, %shift_right_logical3A_695 : vector<128x128xi32>
    %or3A_697 = arith.ori %shift_left3A_693, %shift_right_logical3A_696 : vector<128x128xi32>
    %xor3A_698 = arith.xori %add3A_690, %or3A_697 : vector<128x128xi32>
    %add3A_699 = arith.constant 0 : i32
    %add3A_700 = vector.broadcast %add3A_699 : i32 to vector<128x128xi32>
    %add3A_701 = arith.addi %add3A_690, %add3A_700 : vector<128x128xi32>
    %add3A_702 = arith.constant 45 : i32
    %add3A_703 = vector.broadcast %add3A_702 : i32 to vector<128x128xi32>
    %add3A_704 = arith.addi %xor3A_698, %add3A_703 : vector<128x128xi32>
    %add3A_705 = arith.addi %add3A_701, %add3A_704 : vector<128x128xi32>
    %shift_left3A_706 = arith.constant 17 : i32
    %shift_left3A_707 = vector.broadcast %shift_left3A_706 : i32 to vector<128x128xi32>
    %shift_left3A_708 = arith.shli %add3A_704, %shift_left3A_707 : vector<128x128xi32>
    %shift_right_logical3A_709 = arith.constant 15 : i32
    %shift_right_logical3A_710 = vector.broadcast %shift_right_logical3A_709 : i32 to vector<128x128xi32>
    %shift_right_logical3A_711 = arith.shrui %add3A_704, %shift_right_logical3A_710 : vector<128x128xi32>
    %or3A_712 = arith.ori %shift_left3A_708, %shift_right_logical3A_711 : vector<128x128xi32>
    %xor3A_713 = arith.xori %add3A_705, %or3A_712 : vector<128x128xi32>
    %add3A_714 = arith.addi %add3A_705, %xor3A_713 : vector<128x128xi32>
    %shift_left3A_715 = arith.constant 29 : i32
    %shift_left3A_716 = vector.broadcast %shift_left3A_715 : i32 to vector<128x128xi32>
    %shift_left3A_717 = arith.shli %xor3A_713, %shift_left3A_716 : vector<128x128xi32>
    %shift_right_logical3A_718 = arith.constant 3 : i32
    %shift_right_logical3A_719 = vector.broadcast %shift_right_logical3A_718 : i32 to vector<128x128xi32>
    %shift_right_logical3A_720 = arith.shrui %xor3A_713, %shift_right_logical3A_719 : vector<128x128xi32>
    %or3A_721 = arith.ori %shift_left3A_717, %shift_right_logical3A_720 : vector<128x128xi32>
    %xor3A_722 = arith.xori %add3A_714, %or3A_721 : vector<128x128xi32>
    %add3A_723 = arith.addi %add3A_714, %xor3A_722 : vector<128x128xi32>
    %shift_left3A_724 = arith.constant 16 : i32
    %shift_left3A_725 = vector.broadcast %shift_left3A_724 : i32 to vector<128x128xi32>
    %shift_left3A_726 = arith.shli %xor3A_722, %shift_left3A_725 : vector<128x128xi32>
    %shift_right_logical3A_727 = arith.constant 16 : i32
    %shift_right_logical3A_728 = vector.broadcast %shift_right_logical3A_727 : i32 to vector<128x128xi32>
    %shift_right_logical3A_729 = arith.shrui %xor3A_722, %shift_right_logical3A_728 : vector<128x128xi32>
    %or3A_730 = arith.ori %shift_left3A_726, %shift_right_logical3A_729 : vector<128x128xi32>
    %xor3A_731 = arith.xori %add3A_723, %or3A_730 : vector<128x128xi32>
    %add3A_732 = arith.addi %add3A_723, %xor3A_731 : vector<128x128xi32>
    %shift_left3A_733 = arith.constant 24 : i32
    %shift_left3A_734 = vector.broadcast %shift_left3A_733 : i32 to vector<128x128xi32>
    %shift_left3A_735 = arith.shli %xor3A_731, %shift_left3A_734 : vector<128x128xi32>
    %shift_right_logical3A_736 = arith.constant 8 : i32
    %shift_right_logical3A_737 = vector.broadcast %shift_right_logical3A_736 : i32 to vector<128x128xi32>
    %shift_right_logical3A_738 = arith.shrui %xor3A_731, %shift_right_logical3A_737 : vector<128x128xi32>
    %or3A_739 = arith.ori %shift_left3A_735, %shift_right_logical3A_738 : vector<128x128xi32>
    %xor3A_740 = arith.xori %add3A_732, %or3A_739 : vector<128x128xi32>
    %add3A_741 = arith.constant 42 : i32
    %add3A_742 = vector.broadcast %add3A_741 : i32 to vector<128x128xi32>
    %add3A_743 = arith.addi %add3A_732, %add3A_742 : vector<128x128xi32>
    %add3A_744 = arith.constant 466689012 : i32
    %add3A_745 = vector.broadcast %add3A_744 : i32 to vector<128x128xi32>
    %add3A_746 = arith.addi %xor3A_740, %add3A_745 : vector<128x128xi32>
    %add3A_747 = arith.addi %add3A_743, %add3A_746 : vector<128x128xi32>
    %shift_left3A_748 = arith.constant 13 : i32
    %shift_left3A_749 = vector.broadcast %shift_left3A_748 : i32 to vector<128x128xi32>
    %shift_left3A_750 = arith.shli %add3A_746, %shift_left3A_749 : vector<128x128xi32>
    %shift_right_logical3A_751 = arith.constant 19 : i32
    %shift_right_logical3A_752 = vector.broadcast %shift_right_logical3A_751 : i32 to vector<128x128xi32>
    %shift_right_logical3A_753 = arith.shrui %add3A_746, %shift_right_logical3A_752 : vector<128x128xi32>
    %or3A_754 = arith.ori %shift_left3A_750, %shift_right_logical3A_753 : vector<128x128xi32>
    %xor3A_755 = arith.xori %add3A_747, %or3A_754 : vector<128x128xi32>
    %add3A_756 = arith.addi %add3A_747, %xor3A_755 : vector<128x128xi32>
    %shift_left3A_757 = arith.constant 15 : i32
    %shift_left3A_758 = vector.broadcast %shift_left3A_757 : i32 to vector<128x128xi32>
    %shift_left3A_759 = arith.shli %xor3A_755, %shift_left3A_758 : vector<128x128xi32>
    %shift_right_logical3A_760 = arith.constant 17 : i32
    %shift_right_logical3A_761 = vector.broadcast %shift_right_logical3A_760 : i32 to vector<128x128xi32>
    %shift_right_logical3A_762 = arith.shrui %xor3A_755, %shift_right_logical3A_761 : vector<128x128xi32>
    %or3A_763 = arith.ori %shift_left3A_759, %shift_right_logical3A_762 : vector<128x128xi32>
    %xor3A_764 = arith.xori %add3A_756, %or3A_763 : vector<128x128xi32>
    %add3A_765 = arith.addi %add3A_756, %xor3A_764 : vector<128x128xi32>
    %shift_left3A_766 = arith.constant 26 : i32
    %shift_left3A_767 = vector.broadcast %shift_left3A_766 : i32 to vector<128x128xi32>
    %shift_left3A_768 = arith.shli %xor3A_764, %shift_left3A_767 : vector<128x128xi32>
    %shift_right_logical3A_769 = arith.constant 6 : i32
    %shift_right_logical3A_770 = vector.broadcast %shift_right_logical3A_769 : i32 to vector<128x128xi32>
    %shift_right_logical3A_771 = arith.shrui %xor3A_764, %shift_right_logical3A_770 : vector<128x128xi32>
    %or3A_772 = arith.ori %shift_left3A_768, %shift_right_logical3A_771 : vector<128x128xi32>
    %xor3A_773 = arith.xori %add3A_765, %or3A_772 : vector<128x128xi32>
    %add3A_774 = arith.addi %add3A_765, %xor3A_773 : vector<128x128xi32>
    %shift_left3A_775 = arith.constant 6 : i32
    %shift_left3A_776 = vector.broadcast %shift_left3A_775 : i32 to vector<128x128xi32>
    %shift_left3A_777 = arith.shli %xor3A_773, %shift_left3A_776 : vector<128x128xi32>
    %shift_right_logical3A_778 = arith.constant 26 : i32
    %shift_right_logical3A_779 = vector.broadcast %shift_right_logical3A_778 : i32 to vector<128x128xi32>
    %shift_right_logical3A_780 = arith.shrui %xor3A_773, %shift_right_logical3A_779 : vector<128x128xi32>
    %or3A_781 = arith.ori %shift_left3A_777, %shift_right_logical3A_780 : vector<128x128xi32>
    %xor3A_782 = arith.xori %add3A_774, %or3A_781 : vector<128x128xi32>
    %add3A_783 = arith.constant 466689008 : i32
    %add3A_784 = vector.broadcast %add3A_783 : i32 to vector<128x128xi32>
    %add3A_785 = arith.addi %add3A_774, %add3A_784 : vector<128x128xi32>
    %add3A_786 = arith.constant 5 : i32
    %add3A_787 = vector.broadcast %add3A_786 : i32 to vector<128x128xi32>
    %add3A_788 = arith.addi %xor3A_782, %add3A_787 : vector<128x128xi32>
    %xor3A_789 = arith.xori %add3A_785, %add3A_788 : vector<128x128xi32>
    %shift_right_logical3A_790 = arith.constant 9 : i32
    %shift_right_logical3A_791 = vector.broadcast %shift_right_logical3A_790 : i32 to vector<128x128xi32>
    %shift_right_logical3A_792 = arith.shrui %xor3A_789, %shift_right_logical3A_791 : vector<128x128xi32>
    %or3A_793 = arith.constant 1065353216 : i32
    %or3A_794 = vector.broadcast %or3A_793 : i32 to vector<128x128xi32>
    %or3A_795 = arith.ori %shift_right_logical3A_792, %or3A_794 : vector<128x128xi32>
    %bitcast_convert_type3A_796 = tpu.bitcast %or3A_795 : vector<128x128xi32> -> vector<128x128xf32>
    %sub3A_797 = arith.constant 1.000000e+00 : f32
    %sub3A_798 = vector.broadcast %sub3A_797 : f32 to vector<128x128xf32>
    %sub3A_799 = arith.subf %bitcast_convert_type3A_796, %sub3A_798 : vector<128x128xf32>
    %mul3A_800 = arith.constant 2.000000e+00 : f32
    %mul3A_801 = vector.broadcast %mul3A_800 : f32 to vector<128x128xf32>
    %mul3A_802 = arith.mulf %sub3A_799, %mul3A_801 : vector<128x128xf32>
    %add3A_803 = arith.constant -0.99999994 : f32
    %add3A_804 = vector.broadcast %add3A_803 : f32 to vector<128x128xf32>
    %add3A_805 = arith.addf %mul3A_802, %add3A_804 : vector<128x128xf32>
    %mul3A_806 = arith.mulf %add3A_805, %add3A_805 : vector<128x128xf32>
    %sub3A_807 = arith.constant 1.000000e+00 : f32
    %sub3A_808 = vector.broadcast %sub3A_807 : f32 to vector<128x128xf32>
    %sub3A_809 = arith.subf %sub3A_808, %mul3A_806 : vector<128x128xf32>
    %log3A_810 = math.log %sub3A_809 : vector<128x128xf32>
    %neg3A_811 = arith.constant 0.000000e+00 : f32
    %neg3A_812 = vector.broadcast %neg3A_811 : f32 to vector<128x128xf32>
    %neg3A_813 = arith.subf %neg3A_812, %log3A_810 : vector<128x128xf32>
    %lt3A_814 = arith.constant 5.000000e+00 : f32
    %lt3A_815 = vector.broadcast %lt3A_814 : f32 to vector<128x128xf32>
    %lt3A_816 = arith.cmpf olt, %neg3A_813, %lt3A_815 : vector<128x128xf32>
    %sub3A_817 = arith.constant 2.500000e+00 : f32
    %sub3A_818 = vector.broadcast %sub3A_817 : f32 to vector<128x128xf32>
    %sub3A_819 = arith.subf %neg3A_813, %sub3A_818 : vector<128x128xf32>
    %sqrt3A_820 = math.sqrt %neg3A_813 : vector<128x128xf32>
    %sub3A_821 = arith.constant 3.000000e+00 : f32
    %sub3A_822 = vector.broadcast %sub3A_821 : f32 to vector<128x128xf32>
    %sub3A_823 = arith.subf %sqrt3A_820, %sub3A_822 : vector<128x128xf32>
    %select_n3A_824 = arith.select %lt3A_816, %sub3A_819, %sub3A_823 : vector<128x128xi1>, vector<128x128xf32>
    %jit3A_825 = arith.constant 2.68603879E-4 : f32
    %jit3A_826 = arith.constant 0.0112847611 : f32
    %broadcast_in_dim3A_827 = vector.broadcast %jit3A_825 : f32 to vector<128x128xf32>
    %broadcast_in_dim3A_828 = vector.broadcast %jit3A_826 : f32 to vector<128x128xf32>
    %select_n3A_829 = arith.select %lt3A_816, %broadcast_in_dim3A_827, %broadcast_in_dim3A_828 : vector<128x128xi1>, vector<128x128xf32>
    %jit3A_830 = arith.constant -0.00179882906 : f32
    %jit3A_831 = arith.constant -0.0149701508 : f32
    %broadcast_in_dim3A_832 = vector.broadcast %jit3A_830 : f32 to vector<128x128xf32>
    %broadcast_in_dim3A_833 = vector.broadcast %jit3A_831 : f32 to vector<128x128xf32>
    %select_n3A_834 = arith.select %lt3A_816, %broadcast_in_dim3A_832, %broadcast_in_dim3A_833 : vector<128x128xi1>, vector<128x128xf32>
    %mul3A_835 = arith.mulf %select_n3A_829, %select_n3A_824 : vector<128x128xf32>
    %add3A_836 = arith.addf %select_n3A_834, %mul3A_835 : vector<128x128xf32>
    %jit3A_837 = arith.constant -0.00582481688 : f32
    %jit3A_838 = arith.constant 0.0111749563 : f32
    %broadcast_in_dim3A_839 = vector.broadcast %jit3A_837 : f32 to vector<128x128xf32>
    %broadcast_in_dim3A_840 = vector.broadcast %jit3A_838 : f32 to vector<128x128xf32>
    %select_n3A_841 = arith.select %lt3A_816, %broadcast_in_dim3A_839, %broadcast_in_dim3A_840 : vector<128x128xi1>, vector<128x128xf32>
    %mul3A_842 = arith.mulf %add3A_836, %select_n3A_824 : vector<128x128xf32>
    %add3A_843 = arith.addf %select_n3A_841, %mul3A_842 : vector<128x128xf32>
    %jit3A_844 = arith.constant 0.348833501 : f32
    %jit3A_845 = arith.constant 1.41679764 : f32
    %broadcast_in_dim3A_846 = vector.broadcast %jit3A_844 : f32 to vector<128x128xf32>
    %broadcast_in_dim3A_847 = vector.broadcast %jit3A_845 : f32 to vector<128x128xf32>
    %select_n3A_848 = arith.select %lt3A_816, %broadcast_in_dim3A_846, %broadcast_in_dim3A_847 : vector<128x128xi1>, vector<128x128xf32>
    %mul3A_849 = arith.mulf %add3A_843, %select_n3A_824 : vector<128x128xf32>
    %add3A_850 = arith.addf %select_n3A_848, %mul3A_849 : vector<128x128xf32>
    %jit3A_851 = arith.constant 2.12328982 : f32
    %jit3A_852 = arith.constant 4.00653839 : f32
    %broadcast_in_dim3A_853 = vector.broadcast %jit3A_851 : f32 to vector<128x128xf32>
    %broadcast_in_dim3A_854 = vector.broadcast %jit3A_852 : f32 to vector<128x128xf32>
    %select_n3A_855 = arith.select %lt3A_816, %broadcast_in_dim3A_853, %broadcast_in_dim3A_854 : vector<128x128xi1>, vector<128x128xf32>
    %mul3A_856 = arith.mulf %add3A_850, %select_n3A_824 : vector<128x128xf32>
    %add3A_857 = arith.addf %select_n3A_855, %mul3A_856 : vector<128x128xf32>
    %mul3A_858 = arith.mulf %add3A_857, %add3A_805 : vector<128x128xf32>
    %slice3A_859 = vector.extract_strided_slice %transpose3A {offsets = [0, 2], sizes = [128, 1], strides = [1, 1]} : vector<128x8xf32> to vector<128x1xf32>
    %mul3A_860 = vector.broadcast %slice3A_859 : vector<128x1xf32> to vector<128x128xf32>
    %mul3A_861 = arith.mulf %mul3A_858, %mul3A_860 : vector<128x128xf32>
    %swap3A_862 = arith.constant 256 : index
    %swap3A_863 = arith.constant 0 : index
    %swap3A_864 = vector.load %arg2[%swap3A_862, %swap3A_863] : memref<1024x128xf32, #tpu.memory_space<vmem>>, vector<128x128xf32>
    tpu.vector_store %arg2[%swap3A_862, %swap3A_863], %mul3A_861 {strides = array<i32>} : memref<1024x128xf32, #tpu.memory_space<vmem>>, vector<128x128xf32>,
    %add3A_865 = arith.constant 49152 : i32
    %add3A_866 = arith.addi %mul3A_0, %add3A_865 : i32
    %add3A_867 = arith.constant 42 : i32
    %add3A_868 = arith.addi %add3A_866, %add3A_867 : i32
    %add3A_869 = vector.broadcast %add3A_868 : i32 to vector<128x128xi32>
    %add3A_870 = arith.addi %add3A, %add3A_869 : vector<128x128xi32>
    %shift_left3A_871 = arith.constant 13 : i32
    %shift_left3A_872 = vector.broadcast %shift_left3A_871 : i32 to vector<128x128xi32>
    %shift_left3A_873 = arith.shli %add3A_870, %shift_left3A_872 : vector<128x128xi32>
    %shift_right_logical3A_874 = arith.constant 19 : i32
    %shift_right_logical3A_875 = vector.broadcast %shift_right_logical3A_874 : i32 to vector<128x128xi32>
    %shift_right_logical3A_876 = arith.shrui %add3A_870, %shift_right_logical3A_875 : vector<128x128xi32>
    %or3A_877 = arith.ori %shift_left3A_873, %shift_right_logical3A_876 : vector<128x128xi32>
    %xor3A_878 = arith.xori %or3A_877, %add3A_870 : vector<128x128xi32>
    %add3A_879 = arith.addi %add3A_870, %xor3A_878 : vector<128x128xi32>
    %shift_left3A_880 = arith.constant 15 : i32
    %shift_left3A_881 = vector.broadcast %shift_left3A_880 : i32 to vector<128x128xi32>
    %shift_left3A_882 = arith.shli %xor3A_878, %shift_left3A_881 : vector<128x128xi32>
    %shift_right_logical3A_883 = arith.constant 17 : i32
    %shift_right_logical3A_884 = vector.broadcast %shift_right_logical3A_883 : i32 to vector<128x128xi32>
    %shift_right_logical3A_885 = arith.shrui %xor3A_878, %shift_right_logical3A_884 : vector<128x128xi32>
    %or3A_886 = arith.ori %shift_left3A_882, %shift_right_logical3A_885 : vector<128x128xi32>
    %xor3A_887 = arith.xori %add3A_879, %or3A_886 : vector<128x128xi32>
    %add3A_888 = arith.addi %add3A_879, %xor3A_887 : vector<128x128xi32>
    %shift_left3A_889 = arith.constant 26 : i32
    %shift_left3A_890 = vector.broadcast %shift_left3A_889 : i32 to vector<128x128xi32>
    %shift_left3A_891 = arith.shli %xor3A_887, %shift_left3A_890 : vector<128x128xi32>
    %shift_right_logical3A_892 = arith.constant 6 : i32
    %shift_right_logical3A_893 = vector.broadcast %shift_right_logical3A_892 : i32 to vector<128x128xi32>
    %shift_right_logical3A_894 = arith.shrui %xor3A_887, %shift_right_logical3A_893 : vector<128x128xi32>
    %or3A_895 = arith.ori %shift_left3A_891, %shift_right_logical3A_894 : vector<128x128xi32>
    %xor3A_896 = arith.xori %add3A_888, %or3A_895 : vector<128x128xi32>
    %add3A_897 = arith.addi %add3A_888, %xor3A_896 : vector<128x128xi32>
    %shift_left3A_898 = arith.constant 6 : i32
    %shift_left3A_899 = vector.broadcast %shift_left3A_898 : i32 to vector<128x128xi32>
    %shift_left3A_900 = arith.shli %xor3A_896, %shift_left3A_899 : vector<128x128xi32>
    %shift_right_logical3A_901 = arith.constant 26 : i32
    %shift_right_logical3A_902 = vector.broadcast %shift_right_logical3A_901 : i32 to vector<128x128xi32>
    %shift_right_logical3A_903 = arith.shrui %xor3A_896, %shift_right_logical3A_902 : vector<128x128xi32>
    %or3A_904 = arith.ori %shift_left3A_900, %shift_right_logical3A_903 : vector<128x128xi32>
    %xor3A_905 = arith.xori %add3A_897, %or3A_904 : vector<128x128xi32>
    %add3A_906 = arith.constant 42 : i32
    %add3A_907 = vector.broadcast %add3A_906 : i32 to vector<128x128xi32>
    %add3A_908 = arith.addi %add3A_897, %add3A_907 : vector<128x128xi32>
    %add3A_909 = arith.constant 466689009 : i32
    %add3A_910 = vector.broadcast %add3A_909 : i32 to vector<128x128xi32>
    %add3A_911 = arith.addi %xor3A_905, %add3A_910 : vector<128x128xi32>
    %add3A_912 = arith.addi %add3A_908, %add3A_911 : vector<128x128xi32>
    %shift_left3A_913 = arith.constant 17 : i32
    %shift_left3A_914 = vector.broadcast %shift_left3A_913 : i32 to vector<128x128xi32>
    %shift_left3A_915 = arith.shli %add3A_911, %shift_left3A_914 : vector<128x128xi32>
    %shift_right_logical3A_916 = arith.constant 15 : i32
    %shift_right_logical3A_917 = vector.broadcast %shift_right_logical3A_916 : i32 to vector<128x128xi32>
    %shift_right_logical3A_918 = arith.shrui %add3A_911, %shift_right_logical3A_917 : vector<128x128xi32>
    %or3A_919 = arith.ori %shift_left3A_915, %shift_right_logical3A_918 : vector<128x128xi32>
    %xor3A_920 = arith.xori %add3A_912, %or3A_919 : vector<128x128xi32>
    %add3A_921 = arith.addi %add3A_912, %xor3A_920 : vector<128x128xi32>
    %shift_left3A_922 = arith.constant 29 : i32
    %shift_left3A_923 = vector.broadcast %shift_left3A_922 : i32 to vector<128x128xi32>
    %shift_left3A_924 = arith.shli %xor3A_920, %shift_left3A_923 : vector<128x128xi32>
    %shift_right_logical3A_925 = arith.constant 3 : i32
    %shift_right_logical3A_926 = vector.broadcast %shift_right_logical3A_925 : i32 to vector<128x128xi32>
    %shift_right_logical3A_927 = arith.shrui %xor3A_920, %shift_right_logical3A_926 : vector<128x128xi32>
    %or3A_928 = arith.ori %shift_left3A_924, %shift_right_logical3A_927 : vector<128x128xi32>
    %xor3A_929 = arith.xori %add3A_921, %or3A_928 : vector<128x128xi32>
    %add3A_930 = arith.addi %add3A_921, %xor3A_929 : vector<128x128xi32>
    %shift_left3A_931 = arith.constant 16 : i32
    %shift_left3A_932 = vector.broadcast %shift_left3A_931 : i32 to vector<128x128xi32>
    %shift_left3A_933 = arith.shli %xor3A_929, %shift_left3A_932 : vector<128x128xi32>
    %shift_right_logical3A_934 = arith.constant 16 : i32
    %shift_right_logical3A_935 = vector.broadcast %shift_right_logical3A_934 : i32 to vector<128x128xi32>
    %shift_right_logical3A_936 = arith.shrui %xor3A_929, %shift_right_logical3A_935 : vector<128x128xi32>
    %or3A_937 = arith.ori %shift_left3A_933, %shift_right_logical3A_936 : vector<128x128xi32>
    %xor3A_938 = arith.xori %add3A_930, %or3A_937 : vector<128x128xi32>
    %add3A_939 = arith.addi %add3A_930, %xor3A_938 : vector<128x128xi32>
    %shift_left3A_940 = arith.constant 24 : i32
    %shift_left3A_941 = vector.broadcast %shift_left3A_940 : i32 to vector<128x128xi32>
    %shift_left3A_942 = arith.shli %xor3A_938, %shift_left3A_941 : vector<128x128xi32>
    %shift_right_logical3A_943 = arith.constant 8 : i32
    %shift_right_logical3A_944 = vector.broadcast %shift_right_logical3A_943 : i32 to vector<128x128xi32>
    %shift_right_logical3A_945 = arith.shrui %xor3A_938, %shift_right_logical3A_944 : vector<128x128xi32>
    %or3A_946 = arith.ori %shift_left3A_942, %shift_right_logical3A_945 : vector<128x128xi32>
    %xor3A_947 = arith.xori %add3A_939, %or3A_946 : vector<128x128xi32>
    %add3A_948 = arith.constant 466689008 : i32
    %add3A_949 = vector.broadcast %add3A_948 : i32 to vector<128x128xi32>
    %add3A_950 = arith.addi %add3A_939, %add3A_949 : vector<128x128xi32>
    %add3A_951 = arith.constant 2 : i32
    %add3A_952 = vector.broadcast %add3A_951 : i32 to vector<128x128xi32>
    %add3A_953 = arith.addi %xor3A_947, %add3A_952 : vector<128x128xi32>
    %add3A_954 = arith.addi %add3A_950, %add3A_953 : vector<128x128xi32>
    %shift_left3A_955 = arith.constant 13 : i32
    %shift_left3A_956 = vector.broadcast %shift_left3A_955 : i32 to vector<128x128xi32>
    %shift_left3A_957 = arith.shli %add3A_953, %shift_left3A_956 : vector<128x128xi32>
    %shift_right_logical3A_958 = arith.constant 19 : i32
    %shift_right_logical3A_959 = vector.broadcast %shift_right_logical3A_958 : i32 to vector<128x128xi32>
    %shift_right_logical3A_960 = arith.shrui %add3A_953, %shift_right_logical3A_959 : vector<128x128xi32>
    %or3A_961 = arith.ori %shift_left3A_957, %shift_right_logical3A_960 : vector<128x128xi32>
    %xor3A_962 = arith.xori %add3A_954, %or3A_961 : vector<128x128xi32>
    %add3A_963 = arith.addi %add3A_954, %xor3A_962 : vector<128x128xi32>
    %shift_left3A_964 = arith.constant 15 : i32
    %shift_left3A_965 = vector.broadcast %shift_left3A_964 : i32 to vector<128x128xi32>
    %shift_left3A_966 = arith.shli %xor3A_962, %shift_left3A_965 : vector<128x128xi32>
    %shift_right_logical3A_967 = arith.constant 17 : i32
    %shift_right_logical3A_968 = vector.broadcast %shift_right_logical3A_967 : i32 to vector<128x128xi32>
    %shift_right_logical3A_969 = arith.shrui %xor3A_962, %shift_right_logical3A_968 : vector<128x128xi32>
    %or3A_970 = arith.ori %shift_left3A_966, %shift_right_logical3A_969 : vector<128x128xi32>
    %xor3A_971 = arith.xori %add3A_963, %or3A_970 : vector<128x128xi32>
    %add3A_972 = arith.addi %add3A_963, %xor3A_971 : vector<128x128xi32>
    %shift_left3A_973 = arith.constant 26 : i32
    %shift_left3A_974 = vector.broadcast %shift_left3A_973 : i32 to vector<128x128xi32>
    %shift_left3A_975 = arith.shli %xor3A_971, %shift_left3A_974 : vector<128x128xi32>
    %shift_right_logical3A_976 = arith.constant 6 : i32
    %shift_right_logical3A_977 = vector.broadcast %shift_right_logical3A_976 : i32 to vector<128x128xi32>
    %shift_right_logical3A_978 = arith.shrui %xor3A_971, %shift_right_logical3A_977 : vector<128x128xi32>
    %or3A_979 = arith.ori %shift_left3A_975, %shift_right_logical3A_978 : vector<128x128xi32>
    %xor3A_980 = arith.xori %add3A_972, %or3A_979 : vector<128x128xi32>
    %add3A_981 = arith.addi %add3A_972, %xor3A_980 : vector<128x128xi32>
    %shift_left3A_982 = arith.constant 6 : i32
    %shift_left3A_983 = vector.broadcast %shift_left3A_982 : i32 to vector<128x128xi32>
    %shift_left3A_984 = arith.shli %xor3A_980, %shift_left3A_983 : vector<128x128xi32>
    %shift_right_logical3A_985 = arith.constant 26 : i32
    %shift_right_logical3A_986 = vector.broadcast %shift_right_logical3A_985 : i32 to vector<128x128xi32>
    %shift_right_logical3A_987 = arith.shrui %xor3A_980, %shift_right_logical3A_986 : vector<128x128xi32>
    %or3A_988 = arith.ori %shift_left3A_984, %shift_right_logical3A_987 : vector<128x128xi32>
    %xor3A_989 = arith.xori %add3A_981, %or3A_988 : vector<128x128xi32>
    %add3A_990 = arith.constant 0 : i32
    %add3A_991 = vector.broadcast %add3A_990 : i32 to vector<128x128xi32>
    %add3A_992 = arith.addi %add3A_981, %add3A_991 : vector<128x128xi32>
    %add3A_993 = arith.constant 45 : i32
    %add3A_994 = vector.broadcast %add3A_993 : i32 to vector<128x128xi32>
    %add3A_995 = arith.addi %xor3A_989, %add3A_994 : vector<128x128xi32>
    %add3A_996 = arith.addi %add3A_992, %add3A_995 : vector<128x128xi32>
    %shift_left3A_997 = arith.constant 17 : i32
    %shift_left3A_998 = vector.broadcast %shift_left3A_997 : i32 to vector<128x128xi32>
    %shift_left3A_999 = arith.shli %add3A_995, %shift_left3A_998 : vector<128x128xi32>
    %shift_right_logical3A_1000 = arith.constant 15 : i32
    %shift_right_logical3A_1001 = vector.broadcast %shift_right_logical3A_1000 : i32 to vector<128x128xi32>
    %shift_right_logical3A_1002 = arith.shrui %add3A_995, %shift_right_logical3A_1001 : vector<128x128xi32>
    %or3A_1003 = arith.ori %shift_left3A_999, %shift_right_logical3A_1002 : vector<128x128xi32>
    %xor3A_1004 = arith.xori %add3A_996, %or3A_1003 : vector<128x128xi32>
    %add3A_1005 = arith.addi %add3A_996, %xor3A_1004 : vector<128x128xi32>
    %shift_left3A_1006 = arith.constant 29 : i32
    %shift_left3A_1007 = vector.broadcast %shift_left3A_1006 : i32 to vector<128x128xi32>
    %shift_left3A_1008 = arith.shli %xor3A_1004, %shift_left3A_1007 : vector<128x128xi32>
    %shift_right_logical3A_1009 = arith.constant 3 : i32
    %shift_right_logical3A_1010 = vector.broadcast %shift_right_logical3A_1009 : i32 to vector<128x128xi32>
    %shift_right_logical3A_1011 = arith.shrui %xor3A_1004, %shift_right_logical3A_1010 : vector<128x128xi32>
    %or3A_1012 = arith.ori %shift_left3A_1008, %shift_right_logical3A_1011 : vector<128x128xi32>
    %xor3A_1013 = arith.xori %add3A_1005, %or3A_1012 : vector<128x128xi32>
    %add3A_1014 = arith.addi %add3A_1005, %xor3A_1013 : vector<128x128xi32>
    %shift_left3A_1015 = arith.constant 16 : i32
    %shift_left3A_1016 = vector.broadcast %shift_left3A_1015 : i32 to vector<128x128xi32>
    %shift_left3A_1017 = arith.shli %xor3A_1013, %shift_left3A_1016 : vector<128x128xi32>
    %shift_right_logical3A_1018 = arith.constant 16 : i32
    %shift_right_logical3A_1019 = vector.broadcast %shift_right_logical3A_1018 : i32 to vector<128x128xi32>
    %shift_right_logical3A_1020 = arith.shrui %xor3A_1013, %shift_right_logical3A_1019 : vector<128x128xi32>
    %or3A_1021 = arith.ori %shift_left3A_1017, %shift_right_logical3A_1020 : vector<128x128xi32>
    %xor3A_1022 = arith.xori %add3A_1014, %or3A_1021 : vector<128x128xi32>
    %add3A_1023 = arith.addi %add3A_1014, %xor3A_1022 : vector<128x128xi32>
    %shift_left3A_1024 = arith.constant 24 : i32
    %shift_left3A_1025 = vector.broadcast %shift_left3A_1024 : i32 to vector<128x128xi32>
    %shift_left3A_1026 = arith.shli %xor3A_1022, %shift_left3A_1025 : vector<128x128xi32>
    %shift_right_logical3A_1027 = arith.constant 8 : i32
    %shift_right_logical3A_1028 = vector.broadcast %shift_right_logical3A_1027 : i32 to vector<128x128xi32>
    %shift_right_logical3A_1029 = arith.shrui %xor3A_1022, %shift_right_logical3A_1028 : vector<128x128xi32>
    %or3A_1030 = arith.ori %shift_left3A_1026, %shift_right_logical3A_1029 : vector<128x128xi32>
    %xor3A_1031 = arith.xori %add3A_1023, %or3A_1030 : vector<128x128xi32>
    %add3A_1032 = arith.constant 42 : i32
    %add3A_1033 = vector.broadcast %add3A_1032 : i32 to vector<128x128xi32>
    %add3A_1034 = arith.addi %add3A_1023, %add3A_1033 : vector<128x128xi32>
    %add3A_1035 = arith.constant 466689012 : i32
    %add3A_1036 = vector.broadcast %add3A_1035 : i32 to vector<128x128xi32>
    %add3A_1037 = arith.addi %xor3A_1031, %add3A_1036 : vector<128x128xi32>
    %add3A_1038 = arith.addi %add3A_1034, %add3A_1037 : vector<128x128xi32>
    %shift_left3A_1039 = arith.constant 13 : i32
    %shift_left3A_1040 = vector.broadcast %shift_left3A_1039 : i32 to vector<128x128xi32>
    %shift_left3A_1041 = arith.shli %add3A_1037, %shift_left3A_1040 : vector<128x128xi32>
    %shift_right_logical3A_1042 = arith.constant 19 : i32
    %shift_right_logical3A_1043 = vector.broadcast %shift_right_logical3A_1042 : i32 to vector<128x128xi32>
    %shift_right_logical3A_1044 = arith.shrui %add3A_1037, %shift_right_logical3A_1043 : vector<128x128xi32>
    %or3A_1045 = arith.ori %shift_left3A_1041, %shift_right_logical3A_1044 : vector<128x128xi32>
    %xor3A_1046 = arith.xori %add3A_1038, %or3A_1045 : vector<128x128xi32>
    %add3A_1047 = arith.addi %add3A_1038, %xor3A_1046 : vector<128x128xi32>
    %shift_left3A_1048 = arith.constant 15 : i32
    %shift_left3A_1049 = vector.broadcast %shift_left3A_1048 : i32 to vector<128x128xi32>
    %shift_left3A_1050 = arith.shli %xor3A_1046, %shift_left3A_1049 : vector<128x128xi32>
    %shift_right_logical3A_1051 = arith.constant 17 : i32
    %shift_right_logical3A_1052 = vector.broadcast %shift_right_logical3A_1051 : i32 to vector<128x128xi32>
    %shift_right_logical3A_1053 = arith.shrui %xor3A_1046, %shift_right_logical3A_1052 : vector<128x128xi32>
    %or3A_1054 = arith.ori %shift_left3A_1050, %shift_right_logical3A_1053 : vector<128x128xi32>
    %xor3A_1055 = arith.xori %add3A_1047, %or3A_1054 : vector<128x128xi32>
    %add3A_1056 = arith.addi %add3A_1047, %xor3A_1055 : vector<128x128xi32>
    %shift_left3A_1057 = arith.constant 26 : i32
    %shift_left3A_1058 = vector.broadcast %shift_left3A_1057 : i32 to vector<128x128xi32>
    %shift_left3A_1059 = arith.shli %xor3A_1055, %shift_left3A_1058 : vector<128x128xi32>
    %shift_right_logical3A_1060 = arith.constant 6 : i32
    %shift_right_logical3A_1061 = vector.broadcast %shift_right_logical3A_1060 : i32 to vector<128x128xi32>
    %shift_right_logical3A_1062 = arith.shrui %xor3A_1055, %shift_right_logical3A_1061 : vector<128x128xi32>
    %or3A_1063 = arith.ori %shift_left3A_1059, %shift_right_logical3A_1062 : vector<128x128xi32>
    %xor3A_1064 = arith.xori %add3A_1056, %or3A_1063 : vector<128x128xi32>
    %add3A_1065 = arith.addi %add3A_1056, %xor3A_1064 : vector<128x128xi32>
    %shift_left3A_1066 = arith.constant 6 : i32
    %shift_left3A_1067 = vector.broadcast %shift_left3A_1066 : i32 to vector<128x128xi32>
    %shift_left3A_1068 = arith.shli %xor3A_1064, %shift_left3A_1067 : vector<128x128xi32>
    %shift_right_logical3A_1069 = arith.constant 26 : i32
    %shift_right_logical3A_1070 = vector.broadcast %shift_right_logical3A_1069 : i32 to vector<128x128xi32>
    %shift_right_logical3A_1071 = arith.shrui %xor3A_1064, %shift_right_logical3A_1070 : vector<128x128xi32>
    %or3A_1072 = arith.ori %shift_left3A_1068, %shift_right_logical3A_1071 : vector<128x128xi32>
    %xor3A_1073 = arith.xori %add3A_1065, %or3A_1072 : vector<128x128xi32>
    %add3A_1074 = arith.constant 466689008 : i32
    %add3A_1075 = vector.broadcast %add3A_1074 : i32 to vector<128x128xi32>
    %add3A_1076 = arith.addi %add3A_1065, %add3A_1075 : vector<128x128xi32>
    %add3A_1077 = arith.constant 5 : i32
    %add3A_1078 = vector.broadcast %add3A_1077 : i32 to vector<128x128xi32>
    %add3A_1079 = arith.addi %xor3A_1073, %add3A_1078 : vector<128x128xi32>
    %xor3A_1080 = arith.xori %add3A_1076, %add3A_1079 : vector<128x128xi32>
    %shift_right_logical3A_1081 = arith.constant 9 : i32
    %shift_right_logical3A_1082 = vector.broadcast %shift_right_logical3A_1081 : i32 to vector<128x128xi32>
    %shift_right_logical3A_1083 = arith.shrui %xor3A_1080, %shift_right_logical3A_1082 : vector<128x128xi32>
    %or3A_1084 = arith.constant 1065353216 : i32
    %or3A_1085 = vector.broadcast %or3A_1084 : i32 to vector<128x128xi32>
    %or3A_1086 = arith.ori %shift_right_logical3A_1083, %or3A_1085 : vector<128x128xi32>
    %bitcast_convert_type3A_1087 = tpu.bitcast %or3A_1086 : vector<128x128xi32> -> vector<128x128xf32>
    %sub3A_1088 = arith.constant 1.000000e+00 : f32
    %sub3A_1089 = vector.broadcast %sub3A_1088 : f32 to vector<128x128xf32>
    %sub3A_1090 = arith.subf %bitcast_convert_type3A_1087, %sub3A_1089 : vector<128x128xf32>
    %mul3A_1091 = arith.constant 2.000000e+00 : f32
    %mul3A_1092 = vector.broadcast %mul3A_1091 : f32 to vector<128x128xf32>
    %mul3A_1093 = arith.mulf %sub3A_1090, %mul3A_1092 : vector<128x128xf32>
    %add3A_1094 = arith.constant -0.99999994 : f32
    %add3A_1095 = vector.broadcast %add3A_1094 : f32 to vector<128x128xf32>
    %add3A_1096 = arith.addf %mul3A_1093, %add3A_1095 : vector<128x128xf32>
    %mul3A_1097 = arith.mulf %add3A_1096, %add3A_1096 : vector<128x128xf32>
    %sub3A_1098 = arith.constant 1.000000e+00 : f32
    %sub3A_1099 = vector.broadcast %sub3A_1098 : f32 to vector<128x128xf32>
    %sub3A_1100 = arith.subf %sub3A_1099, %mul3A_1097 : vector<128x128xf32>
    %log3A_1101 = math.log %sub3A_1100 : vector<128x128xf32>
    %neg3A_1102 = arith.constant 0.000000e+00 : f32
    %neg3A_1103 = vector.broadcast %neg3A_1102 : f32 to vector<128x128xf32>
    %neg3A_1104 = arith.subf %neg3A_1103, %log3A_1101 : vector<128x128xf32>
    %lt3A_1105 = arith.constant 5.000000e+00 : f32
    %lt3A_1106 = vector.broadcast %lt3A_1105 : f32 to vector<128x128xf32>
    %lt3A_1107 = arith.cmpf olt, %neg3A_1104, %lt3A_1106 : vector<128x128xf32>
    %sub3A_1108 = arith.constant 2.500000e+00 : f32
    %sub3A_1109 = vector.broadcast %sub3A_1108 : f32 to vector<128x128xf32>
    %sub3A_1110 = arith.subf %neg3A_1104, %sub3A_1109 : vector<128x128xf32>
    %sqrt3A_1111 = math.sqrt %neg3A_1104 : vector<128x128xf32>
    %sub3A_1112 = arith.constant 3.000000e+00 : f32
    %sub3A_1113 = vector.broadcast %sub3A_1112 : f32 to vector<128x128xf32>
    %sub3A_1114 = arith.subf %sqrt3A_1111, %sub3A_1113 : vector<128x128xf32>
    %select_n3A_1115 = arith.select %lt3A_1107, %sub3A_1110, %sub3A_1114 : vector<128x128xi1>, vector<128x128xf32>
    %jit3A_1116 = arith.constant 2.68603879E-4 : f32
    %jit3A_1117 = arith.constant 0.0112847611 : f32
    %broadcast_in_dim3A_1118 = vector.broadcast %jit3A_1116 : f32 to vector<128x128xf32>
    %broadcast_in_dim3A_1119 = vector.broadcast %jit3A_1117 : f32 to vector<128x128xf32>
    %select_n3A_1120 = arith.select %lt3A_1107, %broadcast_in_dim3A_1118, %broadcast_in_dim3A_1119 : vector<128x128xi1>, vector<128x128xf32>
    %jit3A_1121 = arith.constant -0.00179882906 : f32
    %jit3A_1122 = arith.constant -0.0149701508 : f32
    %broadcast_in_dim3A_1123 = vector.broadcast %jit3A_1121 : f32 to vector<128x128xf32>
    %broadcast_in_dim3A_1124 = vector.broadcast %jit3A_1122 : f32 to vector<128x128xf32>
    %select_n3A_1125 = arith.select %lt3A_1107, %broadcast_in_dim3A_1123, %broadcast_in_dim3A_1124 : vector<128x128xi1>, vector<128x128xf32>
    %mul3A_1126 = arith.mulf %select_n3A_1120, %select_n3A_1115 : vector<128x128xf32>
    %add3A_1127 = arith.addf %select_n3A_1125, %mul3A_1126 : vector<128x128xf32>
    %jit3A_1128 = arith.constant -0.00582481688 : f32
    %jit3A_1129 = arith.constant 0.0111749563 : f32
    %broadcast_in_dim3A_1130 = vector.broadcast %jit3A_1128 : f32 to vector<128x128xf32>
    %broadcast_in_dim3A_1131 = vector.broadcast %jit3A_1129 : f32 to vector<128x128xf32>
    %select_n3A_1132 = arith.select %lt3A_1107, %broadcast_in_dim3A_1130, %broadcast_in_dim3A_1131 : vector<128x128xi1>, vector<128x128xf32>
    %mul3A_1133 = arith.mulf %add3A_1127, %select_n3A_1115 : vector<128x128xf32>
    %add3A_1134 = arith.addf %select_n3A_1132, %mul3A_1133 : vector<128x128xf32>
    %jit3A_1135 = arith.constant 0.348833501 : f32
    %jit3A_1136 = arith.constant 1.41679764 : f32
    %broadcast_in_dim3A_1137 = vector.broadcast %jit3A_1135 : f32 to vector<128x128xf32>
    %broadcast_in_dim3A_1138 = vector.broadcast %jit3A_1136 : f32 to vector<128x128xf32>
    %select_n3A_1139 = arith.select %lt3A_1107, %broadcast_in_dim3A_1137, %broadcast_in_dim3A_1138 : vector<128x128xi1>, vector<128x128xf32>
    %mul3A_1140 = arith.mulf %add3A_1134, %select_n3A_1115 : vector<128x128xf32>
    %add3A_1141 = arith.addf %select_n3A_1139, %mul3A_1140 : vector<128x128xf32>
    %jit3A_1142 = arith.constant 2.12328982 : f32
    %jit3A_1143 = arith.constant 4.00653839 : f32
    %broadcast_in_dim3A_1144 = vector.broadcast %jit3A_1142 : f32 to vector<128x128xf32>
    %broadcast_in_dim3A_1145 = vector.broadcast %jit3A_1143 : f32 to vector<128x128xf32>
    %select_n3A_1146 = arith.select %lt3A_1107, %broadcast_in_dim3A_1144, %broadcast_in_dim3A_1145 : vector<128x128xi1>, vector<128x128xf32>
    %mul3A_1147 = arith.mulf %add3A_1141, %select_n3A_1115 : vector<128x128xf32>
    %add3A_1148 = arith.addf %select_n3A_1146, %mul3A_1147 : vector<128x128xf32>
    %mul3A_1149 = arith.mulf %add3A_1148, %add3A_1096 : vector<128x128xf32>
    %slice3A_1150 = vector.extract_strided_slice %transpose3A {offsets = [0, 3], sizes = [128, 1], strides = [1, 1]} : vector<128x8xf32> to vector<128x1xf32>
    %mul3A_1151 = vector.broadcast %slice3A_1150 : vector<128x1xf32> to vector<128x128xf32>
    %mul3A_1152 = arith.mulf %mul3A_1149, %mul3A_1151 : vector<128x128xf32>
    %swap3A_1153 = arith.constant 384 : index
    %swap3A_1154 = arith.constant 0 : index
    %swap3A_1155 = vector.load %arg2[%swap3A_1153, %swap3A_1154] : memref<1024x128xf32, #tpu.memory_space<vmem>>, vector<128x128xf32>
    tpu.vector_store %arg2[%swap3A_1153, %swap3A_1154], %mul3A_1152 {strides = array<i32>} : memref<1024x128xf32, #tpu.memory_space<vmem>>, vector<128x128xf32>,
    %add3A_1156 = arith.constant 65536 : i32
    %add3A_1157 = arith.addi %mul3A_0, %add3A_1156 : i32
    %add3A_1158 = arith.constant 42 : i32
    %add3A_1159 = arith.addi %add3A_1157, %add3A_1158 : i32
    %add3A_1160 = vector.broadcast %add3A_1159 : i32 to vector<128x128xi32>
    %add3A_1161 = arith.addi %add3A, %add3A_1160 : vector<128x128xi32>
    %shift_left3A_1162 = arith.constant 13 : i32
    %shift_left3A_1163 = vector.broadcast %shift_left3A_1162 : i32 to vector<128x128xi32>
    %shift_left3A_1164 = arith.shli %add3A_1161, %shift_left3A_1163 : vector<128x128xi32>
    %shift_right_logical3A_1165 = arith.constant 19 : i32
    %shift_right_logical3A_1166 = vector.broadcast %shift_right_logical3A_1165 : i32 to vector<128x128xi32>
    %shift_right_logical3A_1167 = arith.shrui %add3A_1161, %shift_right_logical3A_1166 : vector<128x128xi32>
    %or3A_1168 = arith.ori %shift_left3A_1164, %shift_right_logical3A_1167 : vector<128x128xi32>
    %xor3A_1169 = arith.xori %or3A_1168, %add3A_1161 : vector<128x128xi32>
    %add3A_1170 = arith.addi %add3A_1161, %xor3A_1169 : vector<128x128xi32>
    %shift_left3A_1171 = arith.constant 15 : i32
    %shift_left3A_1172 = vector.broadcast %shift_left3A_1171 : i32 to vector<128x128xi32>
    %shift_left3A_1173 = arith.shli %xor3A_1169, %shift_left3A_1172 : vector<128x128xi32>
    %shift_right_logical3A_1174 = arith.constant 17 : i32
    %shift_right_logical3A_1175 = vector.broadcast %shift_right_logical3A_1174 : i32 to vector<128x128xi32>
    %shift_right_logical3A_1176 = arith.shrui %xor3A_1169, %shift_right_logical3A_1175 : vector<128x128xi32>
    %or3A_1177 = arith.ori %shift_left3A_1173, %shift_right_logical3A_1176 : vector<128x128xi32>
    %xor3A_1178 = arith.xori %add3A_1170, %or3A_1177 : vector<128x128xi32>
    %add3A_1179 = arith.addi %add3A_1170, %xor3A_1178 : vector<128x128xi32>
    %shift_left3A_1180 = arith.constant 26 : i32
    %shift_left3A_1181 = vector.broadcast %shift_left3A_1180 : i32 to vector<128x128xi32>
    %shift_left3A_1182 = arith.shli %xor3A_1178, %shift_left3A_1181 : vector<128x128xi32>
    %shift_right_logical3A_1183 = arith.constant 6 : i32
    %shift_right_logical3A_1184 = vector.broadcast %shift_right_logical3A_1183 : i32 to vector<128x128xi32>
    %shift_right_logical3A_1185 = arith.shrui %xor3A_1178, %shift_right_logical3A_1184 : vector<128x128xi32>
    %or3A_1186 = arith.ori %shift_left3A_1182, %shift_right_logical3A_1185 : vector<128x128xi32>
    %xor3A_1187 = arith.xori %add3A_1179, %or3A_1186 : vector<128x128xi32>
    %add3A_1188 = arith.addi %add3A_1179, %xor3A_1187 : vector<128x128xi32>
    %shift_left3A_1189 = arith.constant 6 : i32
    %shift_left3A_1190 = vector.broadcast %shift_left3A_1189 : i32 to vector<128x128xi32>
    %shift_left3A_1191 = arith.shli %xor3A_1187, %shift_left3A_1190 : vector<128x128xi32>
    %shift_right_logical3A_1192 = arith.constant 26 : i32
    %shift_right_logical3A_1193 = vector.broadcast %shift_right_logical3A_1192 : i32 to vector<128x128xi32>
    %shift_right_logical3A_1194 = arith.shrui %xor3A_1187, %shift_right_logical3A_1193 : vector<128x128xi32>
    %or3A_1195 = arith.ori %shift_left3A_1191, %shift_right_logical3A_1194 : vector<128x128xi32>
    %xor3A_1196 = arith.xori %add3A_1188, %or3A_1195 : vector<128x128xi32>
    %add3A_1197 = arith.constant 42 : i32
    %add3A_1198 = vector.broadcast %add3A_1197 : i32 to vector<128x128xi32>
    %add3A_1199 = arith.addi %add3A_1188, %add3A_1198 : vector<128x128xi32>
    %add3A_1200 = arith.constant 466689009 : i32
    %add3A_1201 = vector.broadcast %add3A_1200 : i32 to vector<128x128xi32>
    %add3A_1202 = arith.addi %xor3A_1196, %add3A_1201 : vector<128x128xi32>
    %add3A_1203 = arith.addi %add3A_1199, %add3A_1202 : vector<128x128xi32>
    %shift_left3A_1204 = arith.constant 17 : i32
    %shift_left3A_1205 = vector.broadcast %shift_left3A_1204 : i32 to vector<128x128xi32>
    %shift_left3A_1206 = arith.shli %add3A_1202, %shift_left3A_1205 : vector<128x128xi32>
    %shift_right_logical3A_1207 = arith.constant 15 : i32
    %shift_right_logical3A_1208 = vector.broadcast %shift_right_logical3A_1207 : i32 to vector<128x128xi32>
    %shift_right_logical3A_1209 = arith.shrui %add3A_1202, %shift_right_logical3A_1208 : vector<128x128xi32>
    %or3A_1210 = arith.ori %shift_left3A_1206, %shift_right_logical3A_1209 : vector<128x128xi32>
    %xor3A_1211 = arith.xori %add3A_1203, %or3A_1210 : vector<128x128xi32>
    %add3A_1212 = arith.addi %add3A_1203, %xor3A_1211 : vector<128x128xi32>
    %shift_left3A_1213 = arith.constant 29 : i32
    %shift_left3A_1214 = vector.broadcast %shift_left3A_1213 : i32 to vector<128x128xi32>
    %shift_left3A_1215 = arith.shli %xor3A_1211, %shift_left3A_1214 : vector<128x128xi32>
    %shift_right_logical3A_1216 = arith.constant 3 : i32
    %shift_right_logical3A_1217 = vector.broadcast %shift_right_logical3A_1216 : i32 to vector<128x128xi32>
    %shift_right_logical3A_1218 = arith.shrui %xor3A_1211, %shift_right_logical3A_1217 : vector<128x128xi32>
    %or3A_1219 = arith.ori %shift_left3A_1215, %shift_right_logical3A_1218 : vector<128x128xi32>
    %xor3A_1220 = arith.xori %add3A_1212, %or3A_1219 : vector<128x128xi32>
    %add3A_1221 = arith.addi %add3A_1212, %xor3A_1220 : vector<128x128xi32>
    %shift_left3A_1222 = arith.constant 16 : i32
    %shift_left3A_1223 = vector.broadcast %shift_left3A_1222 : i32 to vector<128x128xi32>
    %shift_left3A_1224 = arith.shli %xor3A_1220, %shift_left3A_1223 : vector<128x128xi32>
    %shift_right_logical3A_1225 = arith.constant 16 : i32
    %shift_right_logical3A_1226 = vector.broadcast %shift_right_logical3A_1225 : i32 to vector<128x128xi32>
    %shift_right_logical3A_1227 = arith.shrui %xor3A_1220, %shift_right_logical3A_1226 : vector<128x128xi32>
    %or3A_1228 = arith.ori %shift_left3A_1224, %shift_right_logical3A_1227 : vector<128x128xi32>
    %xor3A_1229 = arith.xori %add3A_1221, %or3A_1228 : vector<128x128xi32>
    %add3A_1230 = arith.addi %add3A_1221, %xor3A_1229 : vector<128x128xi32>
    %shift_left3A_1231 = arith.constant 24 : i32
    %shift_left3A_1232 = vector.broadcast %shift_left3A_1231 : i32 to vector<128x128xi32>
    %shift_left3A_1233 = arith.shli %xor3A_1229, %shift_left3A_1232 : vector<128x128xi32>
    %shift_right_logical3A_1234 = arith.constant 8 : i32
    %shift_right_logical3A_1235 = vector.broadcast %shift_right_logical3A_1234 : i32 to vector<128x128xi32>
    %shift_right_logical3A_1236 = arith.shrui %xor3A_1229, %shift_right_logical3A_1235 : vector<128x128xi32>
    %or3A_1237 = arith.ori %shift_left3A_1233, %shift_right_logical3A_1236 : vector<128x128xi32>
    %xor3A_1238 = arith.xori %add3A_1230, %or3A_1237 : vector<128x128xi32>
    %add3A_1239 = arith.constant 466689008 : i32
    %add3A_1240 = vector.broadcast %add3A_1239 : i32 to vector<128x128xi32>
    %add3A_1241 = arith.addi %add3A_1230, %add3A_1240 : vector<128x128xi32>
    %add3A_1242 = arith.constant 2 : i32
    %add3A_1243 = vector.broadcast %add3A_1242 : i32 to vector<128x128xi32>
    %add3A_1244 = arith.addi %xor3A_1238, %add3A_1243 : vector<128x128xi32>
    %add3A_1245 = arith.addi %add3A_1241, %add3A_1244 : vector<128x128xi32>
    %shift_left3A_1246 = arith.constant 13 : i32
    %shift_left3A_1247 = vector.broadcast %shift_left3A_1246 : i32 to vector<128x128xi32>
    %shift_left3A_1248 = arith.shli %add3A_1244, %shift_left3A_1247 : vector<128x128xi32>
    %shift_right_logical3A_1249 = arith.constant 19 : i32
    %shift_right_logical3A_1250 = vector.broadcast %shift_right_logical3A_1249 : i32 to vector<128x128xi32>
    %shift_right_logical3A_1251 = arith.shrui %add3A_1244, %shift_right_logical3A_1250 : vector<128x128xi32>
    %or3A_1252 = arith.ori %shift_left3A_1248, %shift_right_logical3A_1251 : vector<128x128xi32>
    %xor3A_1253 = arith.xori %add3A_1245, %or3A_1252 : vector<128x128xi32>
    %add3A_1254 = arith.addi %add3A_1245, %xor3A_1253 : vector<128x128xi32>
    %shift_left3A_1255 = arith.constant 15 : i32
    %shift_left3A_1256 = vector.broadcast %shift_left3A_1255 : i32 to vector<128x128xi32>
    %shift_left3A_1257 = arith.shli %xor3A_1253, %shift_left3A_1256 : vector<128x128xi32>
    %shift_right_logical3A_1258 = arith.constant 17 : i32
    %shift_right_logical3A_1259 = vector.broadcast %shift_right_logical3A_1258 : i32 to vector<128x128xi32>
    %shift_right_logical3A_1260 = arith.shrui %xor3A_1253, %shift_right_logical3A_1259 : vector<128x128xi32>
    %or3A_1261 = arith.ori %shift_left3A_1257, %shift_right_logical3A_1260 : vector<128x128xi32>
    %xor3A_1262 = arith.xori %add3A_1254, %or3A_1261 : vector<128x128xi32>
    %add3A_1263 = arith.addi %add3A_1254, %xor3A_1262 : vector<128x128xi32>
    %shift_left3A_1264 = arith.constant 26 : i32
    %shift_left3A_1265 = vector.broadcast %shift_left3A_1264 : i32 to vector<128x128xi32>
    %shift_left3A_1266 = arith.shli %xor3A_1262, %shift_left3A_1265 : vector<128x128xi32>
    %shift_right_logical3A_1267 = arith.constant 6 : i32
    %shift_right_logical3A_1268 = vector.broadcast %shift_right_logical3A_1267 : i32 to vector<128x128xi32>
    %shift_right_logical3A_1269 = arith.shrui %xor3A_1262, %shift_right_logical3A_1268 : vector<128x128xi32>
    %or3A_1270 = arith.ori %shift_left3A_1266, %shift_right_logical3A_1269 : vector<128x128xi32>
    %xor3A_1271 = arith.xori %add3A_1263, %or3A_1270 : vector<128x128xi32>
    %add3A_1272 = arith.addi %add3A_1263, %xor3A_1271 : vector<128x128xi32>
    %shift_left3A_1273 = arith.constant 6 : i32
    %shift_left3A_1274 = vector.broadcast %shift_left3A_1273 : i32 to vector<128x128xi32>
    %shift_left3A_1275 = arith.shli %xor3A_1271, %shift_left3A_1274 : vector<128x128xi32>
    %shift_right_logical3A_1276 = arith.constant 26 : i32
    %shift_right_logical3A_1277 = vector.broadcast %shift_right_logical3A_1276 : i32 to vector<128x128xi32>
    %shift_right_logical3A_1278 = arith.shrui %xor3A_1271, %shift_right_logical3A_1277 : vector<128x128xi32>
    %or3A_1279 = arith.ori %shift_left3A_1275, %shift_right_logical3A_1278 : vector<128x128xi32>
    %xor3A_1280 = arith.xori %add3A_1272, %or3A_1279 : vector<128x128xi32>
    %add3A_1281 = arith.constant 0 : i32
    %add3A_1282 = vector.broadcast %add3A_1281 : i32 to vector<128x128xi32>
    %add3A_1283 = arith.addi %add3A_1272, %add3A_1282 : vector<128x128xi32>
    %add3A_1284 = arith.constant 45 : i32
    %add3A_1285 = vector.broadcast %add3A_1284 : i32 to vector<128x128xi32>
    %add3A_1286 = arith.addi %xor3A_1280, %add3A_1285 : vector<128x128xi32>
    %add3A_1287 = arith.addi %add3A_1283, %add3A_1286 : vector<128x128xi32>
    %shift_left3A_1288 = arith.constant 17 : i32
    %shift_left3A_1289 = vector.broadcast %shift_left3A_1288 : i32 to vector<128x128xi32>
    %shift_left3A_1290 = arith.shli %add3A_1286, %shift_left3A_1289 : vector<128x128xi32>
    %shift_right_logical3A_1291 = arith.constant 15 : i32
    %shift_right_logical3A_1292 = vector.broadcast %shift_right_logical3A_1291 : i32 to vector<128x128xi32>
    %shift_right_logical3A_1293 = arith.shrui %add3A_1286, %shift_right_logical3A_1292 : vector<128x128xi32>
    %or3A_1294 = arith.ori %shift_left3A_1290, %shift_right_logical3A_1293 : vector<128x128xi32>
    %xor3A_1295 = arith.xori %add3A_1287, %or3A_1294 : vector<128x128xi32>
    %add3A_1296 = arith.addi %add3A_1287, %xor3A_1295 : vector<128x128xi32>
    %shift_left3A_1297 = arith.constant 29 : i32
    %shift_left3A_1298 = vector.broadcast %shift_left3A_1297 : i32 to vector<128x128xi32>
    %shift_left3A_1299 = arith.shli %xor3A_1295, %shift_left3A_1298 : vector<128x128xi32>
    %shift_right_logical3A_1300 = arith.constant 3 : i32
    %shift_right_logical3A_1301 = vector.broadcast %shift_right_logical3A_1300 : i32 to vector<128x128xi32>
    %shift_right_logical3A_1302 = arith.shrui %xor3A_1295, %shift_right_logical3A_1301 : vector<128x128xi32>
    %or3A_1303 = arith.ori %shift_left3A_1299, %shift_right_logical3A_1302 : vector<128x128xi32>
    %xor3A_1304 = arith.xori %add3A_1296, %or3A_1303 : vector<128x128xi32>
    %add3A_1305 = arith.addi %add3A_1296, %xor3A_1304 : vector<128x128xi32>
    %shift_left3A_1306 = arith.constant 16 : i32
    %shift_left3A_1307 = vector.broadcast %shift_left3A_1306 : i32 to vector<128x128xi32>
    %shift_left3A_1308 = arith.shli %xor3A_1304, %shift_left3A_1307 : vector<128x128xi32>
    %shift_right_logical3A_1309 = arith.constant 16 : i32
    %shift_right_logical3A_1310 = vector.broadcast %shift_right_logical3A_1309 : i32 to vector<128x128xi32>
    %shift_right_logical3A_1311 = arith.shrui %xor3A_1304, %shift_right_logical3A_1310 : vector<128x128xi32>
    %or3A_1312 = arith.ori %shift_left3A_1308, %shift_right_logical3A_1311 : vector<128x128xi32>
    %xor3A_1313 = arith.xori %add3A_1305, %or3A_1312 : vector<128x128xi32>
    %add3A_1314 = arith.addi %add3A_1305, %xor3A_1313 : vector<128x128xi32>
    %shift_left3A_1315 = arith.constant 24 : i32
    %shift_left3A_1316 = vector.broadcast %shift_left3A_1315 : i32 to vector<128x128xi32>
    %shift_left3A_1317 = arith.shli %xor3A_1313, %shift_left3A_1316 : vector<128x128xi32>
    %shift_right_logical3A_1318 = arith.constant 8 : i32
    %shift_right_logical3A_1319 = vector.broadcast %shift_right_logical3A_1318 : i32 to vector<128x128xi32>
    %shift_right_logical3A_1320 = arith.shrui %xor3A_1313, %shift_right_logical3A_1319 : vector<128x128xi32>
    %or3A_1321 = arith.ori %shift_left3A_1317, %shift_right_logical3A_1320 : vector<128x128xi32>
    %xor3A_1322 = arith.xori %add3A_1314, %or3A_1321 : vector<128x128xi32>
    %add3A_1323 = arith.constant 42 : i32
    %add3A_1324 = vector.broadcast %add3A_1323 : i32 to vector<128x128xi32>
    %add3A_1325 = arith.addi %add3A_1314, %add3A_1324 : vector<128x128xi32>
    %add3A_1326 = arith.constant 466689012 : i32
    %add3A_1327 = vector.broadcast %add3A_1326 : i32 to vector<128x128xi32>
    %add3A_1328 = arith.addi %xor3A_1322, %add3A_1327 : vector<128x128xi32>
    %add3A_1329 = arith.addi %add3A_1325, %add3A_1328 : vector<128x128xi32>
    %shift_left3A_1330 = arith.constant 13 : i32
    %shift_left3A_1331 = vector.broadcast %shift_left3A_1330 : i32 to vector<128x128xi32>
    %shift_left3A_1332 = arith.shli %add3A_1328, %shift_left3A_1331 : vector<128x128xi32>
    %shift_right_logical3A_1333 = arith.constant 19 : i32
    %shift_right_logical3A_1334 = vector.broadcast %shift_right_logical3A_1333 : i32 to vector<128x128xi32>
    %shift_right_logical3A_1335 = arith.shrui %add3A_1328, %shift_right_logical3A_1334 : vector<128x128xi32>
    %or3A_1336 = arith.ori %shift_left3A_1332, %shift_right_logical3A_1335 : vector<128x128xi32>
    %xor3A_1337 = arith.xori %add3A_1329, %or3A_1336 : vector<128x128xi32>
    %add3A_1338 = arith.addi %add3A_1329, %xor3A_1337 : vector<128x128xi32>
    %shift_left3A_1339 = arith.constant 15 : i32
    %shift_left3A_1340 = vector.broadcast %shift_left3A_1339 : i32 to vector<128x128xi32>
    %shift_left3A_1341 = arith.shli %xor3A_1337, %shift_left3A_1340 : vector<128x128xi32>
    %shift_right_logical3A_1342 = arith.constant 17 : i32
    %shift_right_logical3A_1343 = vector.broadcast %shift_right_logical3A_1342 : i32 to vector<128x128xi32>
    %shift_right_logical3A_1344 = arith.shrui %xor3A_1337, %shift_right_logical3A_1343 : vector<128x128xi32>
    %or3A_1345 = arith.ori %shift_left3A_1341, %shift_right_logical3A_1344 : vector<128x128xi32>
    %xor3A_1346 = arith.xori %add3A_1338, %or3A_1345 : vector<128x128xi32>
    %add3A_1347 = arith.addi %add3A_1338, %xor3A_1346 : vector<128x128xi32>
    %shift_left3A_1348 = arith.constant 26 : i32
    %shift_left3A_1349 = vector.broadcast %shift_left3A_1348 : i32 to vector<128x128xi32>
    %shift_left3A_1350 = arith.shli %xor3A_1346, %shift_left3A_1349 : vector<128x128xi32>
    %shift_right_logical3A_1351 = arith.constant 6 : i32
    %shift_right_logical3A_1352 = vector.broadcast %shift_right_logical3A_1351 : i32 to vector<128x128xi32>
    %shift_right_logical3A_1353 = arith.shrui %xor3A_1346, %shift_right_logical3A_1352 : vector<128x128xi32>
    %or3A_1354 = arith.ori %shift_left3A_1350, %shift_right_logical3A_1353 : vector<128x128xi32>
    %xor3A_1355 = arith.xori %add3A_1347, %or3A_1354 : vector<128x128xi32>
    %add3A_1356 = arith.addi %add3A_1347, %xor3A_1355 : vector<128x128xi32>
    %shift_left3A_1357 = arith.constant 6 : i32
    %shift_left3A_1358 = vector.broadcast %shift_left3A_1357 : i32 to vector<128x128xi32>
    %shift_left3A_1359 = arith.shli %xor3A_1355, %shift_left3A_1358 : vector<128x128xi32>
    %shift_right_logical3A_1360 = arith.constant 26 : i32
    %shift_right_logical3A_1361 = vector.broadcast %shift_right_logical3A_1360 : i32 to vector<128x128xi32>
    %shift_right_logical3A_1362 = arith.shrui %xor3A_1355, %shift_right_logical3A_1361 : vector<128x128xi32>
    %or3A_1363 = arith.ori %shift_left3A_1359, %shift_right_logical3A_1362 : vector<128x128xi32>
    %xor3A_1364 = arith.xori %add3A_1356, %or3A_1363 : vector<128x128xi32>
    %add3A_1365 = arith.constant 466689008 : i32
    %add3A_1366 = vector.broadcast %add3A_1365 : i32 to vector<128x128xi32>
    %add3A_1367 = arith.addi %add3A_1356, %add3A_1366 : vector<128x128xi32>
    %add3A_1368 = arith.constant 5 : i32
    %add3A_1369 = vector.broadcast %add3A_1368 : i32 to vector<128x128xi32>
    %add3A_1370 = arith.addi %xor3A_1364, %add3A_1369 : vector<128x128xi32>
    %xor3A_1371 = arith.xori %add3A_1367, %add3A_1370 : vector<128x128xi32>
    %shift_right_logical3A_1372 = arith.constant 9 : i32
    %shift_right_logical3A_1373 = vector.broadcast %shift_right_logical3A_1372 : i32 to vector<128x128xi32>
    %shift_right_logical3A_1374 = arith.shrui %xor3A_1371, %shift_right_logical3A_1373 : vector<128x128xi32>
    %or3A_1375 = arith.constant 1065353216 : i32
    %or3A_1376 = vector.broadcast %or3A_1375 : i32 to vector<128x128xi32>
    %or3A_1377 = arith.ori %shift_right_logical3A_1374, %or3A_1376 : vector<128x128xi32>
    %bitcast_convert_type3A_1378 = tpu.bitcast %or3A_1377 : vector<128x128xi32> -> vector<128x128xf32>
    %sub3A_1379 = arith.constant 1.000000e+00 : f32
    %sub3A_1380 = vector.broadcast %sub3A_1379 : f32 to vector<128x128xf32>
    %sub3A_1381 = arith.subf %bitcast_convert_type3A_1378, %sub3A_1380 : vector<128x128xf32>
    %mul3A_1382 = arith.constant 2.000000e+00 : f32
    %mul3A_1383 = vector.broadcast %mul3A_1382 : f32 to vector<128x128xf32>
    %mul3A_1384 = arith.mulf %sub3A_1381, %mul3A_1383 : vector<128x128xf32>
    %add3A_1385 = arith.constant -0.99999994 : f32
    %add3A_1386 = vector.broadcast %add3A_1385 : f32 to vector<128x128xf32>
    %add3A_1387 = arith.addf %mul3A_1384, %add3A_1386 : vector<128x128xf32>
    %mul3A_1388 = arith.mulf %add3A_1387, %add3A_1387 : vector<128x128xf32>
    %sub3A_1389 = arith.constant 1.000000e+00 : f32
    %sub3A_1390 = vector.broadcast %sub3A_1389 : f32 to vector<128x128xf32>
    %sub3A_1391 = arith.subf %sub3A_1390, %mul3A_1388 : vector<128x128xf32>
    %log3A_1392 = math.log %sub3A_1391 : vector<128x128xf32>
    %neg3A_1393 = arith.constant 0.000000e+00 : f32
    %neg3A_1394 = vector.broadcast %neg3A_1393 : f32 to vector<128x128xf32>
    %neg3A_1395 = arith.subf %neg3A_1394, %log3A_1392 : vector<128x128xf32>
    %lt3A_1396 = arith.constant 5.000000e+00 : f32
    %lt3A_1397 = vector.broadcast %lt3A_1396 : f32 to vector<128x128xf32>
    %lt3A_1398 = arith.cmpf olt, %neg3A_1395, %lt3A_1397 : vector<128x128xf32>
    %sub3A_1399 = arith.constant 2.500000e+00 : f32
    %sub3A_1400 = vector.broadcast %sub3A_1399 : f32 to vector<128x128xf32>
    %sub3A_1401 = arith.subf %neg3A_1395, %sub3A_1400 : vector<128x128xf32>
    %sqrt3A_1402 = math.sqrt %neg3A_1395 : vector<128x128xf32>
    %sub3A_1403 = arith.constant 3.000000e+00 : f32
    %sub3A_1404 = vector.broadcast %sub3A_1403 : f32 to vector<128x128xf32>
    %sub3A_1405 = arith.subf %sqrt3A_1402, %sub3A_1404 : vector<128x128xf32>
    %select_n3A_1406 = arith.select %lt3A_1398, %sub3A_1401, %sub3A_1405 : vector<128x128xi1>, vector<128x128xf32>
    %jit3A_1407 = arith.constant 2.68603879E-4 : f32
    %jit3A_1408 = arith.constant 0.0112847611 : f32
    %broadcast_in_dim3A_1409 = vector.broadcast %jit3A_1407 : f32 to vector<128x128xf32>
    %broadcast_in_dim3A_1410 = vector.broadcast %jit3A_1408 : f32 to vector<128x128xf32>
    %select_n3A_1411 = arith.select %lt3A_1398, %broadcast_in_dim3A_1409, %broadcast_in_dim3A_1410 : vector<128x128xi1>, vector<128x128xf32>
    %jit3A_1412 = arith.constant -0.00179882906 : f32
    %jit3A_1413 = arith.constant -0.0149701508 : f32
    %broadcast_in_dim3A_1414 = vector.broadcast %jit3A_1412 : f32 to vector<128x128xf32>
    %broadcast_in_dim3A_1415 = vector.broadcast %jit3A_1413 : f32 to vector<128x128xf32>
    %select_n3A_1416 = arith.select %lt3A_1398, %broadcast_in_dim3A_1414, %broadcast_in_dim3A_1415 : vector<128x128xi1>, vector<128x128xf32>
    %mul3A_1417 = arith.mulf %select_n3A_1411, %select_n3A_1406 : vector<128x128xf32>
    %add3A_1418 = arith.addf %select_n3A_1416, %mul3A_1417 : vector<128x128xf32>
    %jit3A_1419 = arith.constant -0.00582481688 : f32
    %jit3A_1420 = arith.constant 0.0111749563 : f32
    %broadcast_in_dim3A_1421 = vector.broadcast %jit3A_1419 : f32 to vector<128x128xf32>
    %broadcast_in_dim3A_1422 = vector.broadcast %jit3A_1420 : f32 to vector<128x128xf32>
    %select_n3A_1423 = arith.select %lt3A_1398, %broadcast_in_dim3A_1421, %broadcast_in_dim3A_1422 : vector<128x128xi1>, vector<128x128xf32>
    %mul3A_1424 = arith.mulf %add3A_1418, %select_n3A_1406 : vector<128x128xf32>
    %add3A_1425 = arith.addf %select_n3A_1423, %mul3A_1424 : vector<128x128xf32>
    %jit3A_1426 = arith.constant 0.348833501 : f32
    %jit3A_1427 = arith.constant 1.41679764 : f32
    %broadcast_in_dim3A_1428 = vector.broadcast %jit3A_1426 : f32 to vector<128x128xf32>
    %broadcast_in_dim3A_1429 = vector.broadcast %jit3A_1427 : f32 to vector<128x128xf32>
    %select_n3A_1430 = arith.select %lt3A_1398, %broadcast_in_dim3A_1428, %broadcast_in_dim3A_1429 : vector<128x128xi1>, vector<128x128xf32>
    %mul3A_1431 = arith.mulf %add3A_1425, %select_n3A_1406 : vector<128x128xf32>
    %add3A_1432 = arith.addf %select_n3A_1430, %mul3A_1431 : vector<128x128xf32>
    %jit3A_1433 = arith.constant 2.12328982 : f32
    %jit3A_1434 = arith.constant 4.00653839 : f32
    %broadcast_in_dim3A_1435 = vector.broadcast %jit3A_1433 : f32 to vector<128x128xf32>
    %broadcast_in_dim3A_1436 = vector.broadcast %jit3A_1434 : f32 to vector<128x128xf32>
    %select_n3A_1437 = arith.select %lt3A_1398, %broadcast_in_dim3A_1435, %broadcast_in_dim3A_1436 : vector<128x128xi1>, vector<128x128xf32>
    %mul3A_1438 = arith.mulf %add3A_1432, %select_n3A_1406 : vector<128x128xf32>
    %add3A_1439 = arith.addf %select_n3A_1437, %mul3A_1438 : vector<128x128xf32>
    %mul3A_1440 = arith.mulf %add3A_1439, %add3A_1387 : vector<128x128xf32>
    %slice3A_1441 = vector.extract_strided_slice %transpose3A {offsets = [0, 4], sizes = [128, 1], strides = [1, 1]} : vector<128x8xf32> to vector<128x1xf32>
    %mul3A_1442 = vector.broadcast %slice3A_1441 : vector<128x1xf32> to vector<128x128xf32>
    %mul3A_1443 = arith.mulf %mul3A_1440, %mul3A_1442 : vector<128x128xf32>
    %swap3A_1444 = arith.constant 512 : index
    %swap3A_1445 = arith.constant 0 : index
    %swap3A_1446 = vector.load %arg2[%swap3A_1444, %swap3A_1445] : memref<1024x128xf32, #tpu.memory_space<vmem>>, vector<128x128xf32>
    tpu.vector_store %arg2[%swap3A_1444, %swap3A_1445], %mul3A_1443 {strides = array<i32>} : memref<1024x128xf32, #tpu.memory_space<vmem>>, vector<128x128xf32>,
    %add3A_1447 = arith.constant 81920 : i32
    %add3A_1448 = arith.addi %mul3A_0, %add3A_1447 : i32
    %add3A_1449 = arith.constant 42 : i32
    %add3A_1450 = arith.addi %add3A_1448, %add3A_1449 : i32
    %add3A_1451 = vector.broadcast %add3A_1450 : i32 to vector<128x128xi32>
    %add3A_1452 = arith.addi %add3A, %add3A_1451 : vector<128x128xi32>
    %shift_left3A_1453 = arith.constant 13 : i32
    %shift_left3A_1454 = vector.broadcast %shift_left3A_1453 : i32 to vector<128x128xi32>
    %shift_left3A_1455 = arith.shli %add3A_1452, %shift_left3A_1454 : vector<128x128xi32>
    %shift_right_logical3A_1456 = arith.constant 19 : i32
    %shift_right_logical3A_1457 = vector.broadcast %shift_right_logical3A_1456 : i32 to vector<128x128xi32>
    %shift_right_logical3A_1458 = arith.shrui %add3A_1452, %shift_right_logical3A_1457 : vector<128x128xi32>
    %or3A_1459 = arith.ori %shift_left3A_1455, %shift_right_logical3A_1458 : vector<128x128xi32>
    %xor3A_1460 = arith.xori %or3A_1459, %add3A_1452 : vector<128x128xi32>
    %add3A_1461 = arith.addi %add3A_1452, %xor3A_1460 : vector<128x128xi32>
    %shift_left3A_1462 = arith.constant 15 : i32
    %shift_left3A_1463 = vector.broadcast %shift_left3A_1462 : i32 to vector<128x128xi32>
    %shift_left3A_1464 = arith.shli %xor3A_1460, %shift_left3A_1463 : vector<128x128xi32>
    %shift_right_logical3A_1465 = arith.constant 17 : i32
    %shift_right_logical3A_1466 = vector.broadcast %shift_right_logical3A_1465 : i32 to vector<128x128xi32>
    %shift_right_logical3A_1467 = arith.shrui %xor3A_1460, %shift_right_logical3A_1466 : vector<128x128xi32>
    %or3A_1468 = arith.ori %shift_left3A_1464, %shift_right_logical3A_1467 : vector<128x128xi32>
    %xor3A_1469 = arith.xori %add3A_1461, %or3A_1468 : vector<128x128xi32>
    %add3A_1470 = arith.addi %add3A_1461, %xor3A_1469 : vector<128x128xi32>
    %shift_left3A_1471 = arith.constant 26 : i32
    %shift_left3A_1472 = vector.broadcast %shift_left3A_1471 : i32 to vector<128x128xi32>
    %shift_left3A_1473 = arith.shli %xor3A_1469, %shift_left3A_1472 : vector<128x128xi32>
    %shift_right_logical3A_1474 = arith.constant 6 : i32
    %shift_right_logical3A_1475 = vector.broadcast %shift_right_logical3A_1474 : i32 to vector<128x128xi32>
    %shift_right_logical3A_1476 = arith.shrui %xor3A_1469, %shift_right_logical3A_1475 : vector<128x128xi32>
    %or3A_1477 = arith.ori %shift_left3A_1473, %shift_right_logical3A_1476 : vector<128x128xi32>
    %xor3A_1478 = arith.xori %add3A_1470, %or3A_1477 : vector<128x128xi32>
    %add3A_1479 = arith.addi %add3A_1470, %xor3A_1478 : vector<128x128xi32>
    %shift_left3A_1480 = arith.constant 6 : i32
    %shift_left3A_1481 = vector.broadcast %shift_left3A_1480 : i32 to vector<128x128xi32>
    %shift_left3A_1482 = arith.shli %xor3A_1478, %shift_left3A_1481 : vector<128x128xi32>
    %shift_right_logical3A_1483 = arith.constant 26 : i32
    %shift_right_logical3A_1484 = vector.broadcast %shift_right_logical3A_1483 : i32 to vector<128x128xi32>
    %shift_right_logical3A_1485 = arith.shrui %xor3A_1478, %shift_right_logical3A_1484 : vector<128x128xi32>
    %or3A_1486 = arith.ori %shift_left3A_1482, %shift_right_logical3A_1485 : vector<128x128xi32>
    %xor3A_1487 = arith.xori %add3A_1479, %or3A_1486 : vector<128x128xi32>
    %add3A_1488 = arith.constant 42 : i32
    %add3A_1489 = vector.broadcast %add3A_1488 : i32 to vector<128x128xi32>
    %add3A_1490 = arith.addi %add3A_1479, %add3A_1489 : vector<128x128xi32>
    %add3A_1491 = arith.constant 466689009 : i32
    %add3A_1492 = vector.broadcast %add3A_1491 : i32 to vector<128x128xi32>
    %add3A_1493 = arith.addi %xor3A_1487, %add3A_1492 : vector<128x128xi32>
    %add3A_1494 = arith.addi %add3A_1490, %add3A_1493 : vector<128x128xi32>
    %shift_left3A_1495 = arith.constant 17 : i32
    %shift_left3A_1496 = vector.broadcast %shift_left3A_1495 : i32 to vector<128x128xi32>
    %shift_left3A_1497 = arith.shli %add3A_1493, %shift_left3A_1496 : vector<128x128xi32>
    %shift_right_logical3A_1498 = arith.constant 15 : i32
    %shift_right_logical3A_1499 = vector.broadcast %shift_right_logical3A_1498 : i32 to vector<128x128xi32>
    %shift_right_logical3A_1500 = arith.shrui %add3A_1493, %shift_right_logical3A_1499 : vector<128x128xi32>
    %or3A_1501 = arith.ori %shift_left3A_1497, %shift_right_logical3A_1500 : vector<128x128xi32>
    %xor3A_1502 = arith.xori %add3A_1494, %or3A_1501 : vector<128x128xi32>
    %add3A_1503 = arith.addi %add3A_1494, %xor3A_1502 : vector<128x128xi32>
    %shift_left3A_1504 = arith.constant 29 : i32
    %shift_left3A_1505 = vector.broadcast %shift_left3A_1504 : i32 to vector<128x128xi32>
    %shift_left3A_1506 = arith.shli %xor3A_1502, %shift_left3A_1505 : vector<128x128xi32>
    %shift_right_logical3A_1507 = arith.constant 3 : i32
    %shift_right_logical3A_1508 = vector.broadcast %shift_right_logical3A_1507 : i32 to vector<128x128xi32>
    %shift_right_logical3A_1509 = arith.shrui %xor3A_1502, %shift_right_logical3A_1508 : vector<128x128xi32>
    %or3A_1510 = arith.ori %shift_left3A_1506, %shift_right_logical3A_1509 : vector<128x128xi32>
    %xor3A_1511 = arith.xori %add3A_1503, %or3A_1510 : vector<128x128xi32>
    %add3A_1512 = arith.addi %add3A_1503, %xor3A_1511 : vector<128x128xi32>
    %shift_left3A_1513 = arith.constant 16 : i32
    %shift_left3A_1514 = vector.broadcast %shift_left3A_1513 : i32 to vector<128x128xi32>
    %shift_left3A_1515 = arith.shli %xor3A_1511, %shift_left3A_1514 : vector<128x128xi32>
    %shift_right_logical3A_1516 = arith.constant 16 : i32
    %shift_right_logical3A_1517 = vector.broadcast %shift_right_logical3A_1516 : i32 to vector<128x128xi32>
    %shift_right_logical3A_1518 = arith.shrui %xor3A_1511, %shift_right_logical3A_1517 : vector<128x128xi32>
    %or3A_1519 = arith.ori %shift_left3A_1515, %shift_right_logical3A_1518 : vector<128x128xi32>
    %xor3A_1520 = arith.xori %add3A_1512, %or3A_1519 : vector<128x128xi32>
    %add3A_1521 = arith.addi %add3A_1512, %xor3A_1520 : vector<128x128xi32>
    %shift_left3A_1522 = arith.constant 24 : i32
    %shift_left3A_1523 = vector.broadcast %shift_left3A_1522 : i32 to vector<128x128xi32>
    %shift_left3A_1524 = arith.shli %xor3A_1520, %shift_left3A_1523 : vector<128x128xi32>
    %shift_right_logical3A_1525 = arith.constant 8 : i32
    %shift_right_logical3A_1526 = vector.broadcast %shift_right_logical3A_1525 : i32 to vector<128x128xi32>
    %shift_right_logical3A_1527 = arith.shrui %xor3A_1520, %shift_right_logical3A_1526 : vector<128x128xi32>
    %or3A_1528 = arith.ori %shift_left3A_1524, %shift_right_logical3A_1527 : vector<128x128xi32>
    %xor3A_1529 = arith.xori %add3A_1521, %or3A_1528 : vector<128x128xi32>
    %add3A_1530 = arith.constant 466689008 : i32
    %add3A_1531 = vector.broadcast %add3A_1530 : i32 to vector<128x128xi32>
    %add3A_1532 = arith.addi %add3A_1521, %add3A_1531 : vector<128x128xi32>
    %add3A_1533 = arith.constant 2 : i32
    %add3A_1534 = vector.broadcast %add3A_1533 : i32 to vector<128x128xi32>
    %add3A_1535 = arith.addi %xor3A_1529, %add3A_1534 : vector<128x128xi32>
    %add3A_1536 = arith.addi %add3A_1532, %add3A_1535 : vector<128x128xi32>
    %shift_left3A_1537 = arith.constant 13 : i32
    %shift_left3A_1538 = vector.broadcast %shift_left3A_1537 : i32 to vector<128x128xi32>
    %shift_left3A_1539 = arith.shli %add3A_1535, %shift_left3A_1538 : vector<128x128xi32>
    %shift_right_logical3A_1540 = arith.constant 19 : i32
    %shift_right_logical3A_1541 = vector.broadcast %shift_right_logical3A_1540 : i32 to vector<128x128xi32>
    %shift_right_logical3A_1542 = arith.shrui %add3A_1535, %shift_right_logical3A_1541 : vector<128x128xi32>
    %or3A_1543 = arith.ori %shift_left3A_1539, %shift_right_logical3A_1542 : vector<128x128xi32>
    %xor3A_1544 = arith.xori %add3A_1536, %or3A_1543 : vector<128x128xi32>
    %add3A_1545 = arith.addi %add3A_1536, %xor3A_1544 : vector<128x128xi32>
    %shift_left3A_1546 = arith.constant 15 : i32
    %shift_left3A_1547 = vector.broadcast %shift_left3A_1546 : i32 to vector<128x128xi32>
    %shift_left3A_1548 = arith.shli %xor3A_1544, %shift_left3A_1547 : vector<128x128xi32>
    %shift_right_logical3A_1549 = arith.constant 17 : i32
    %shift_right_logical3A_1550 = vector.broadcast %shift_right_logical3A_1549 : i32 to vector<128x128xi32>
    %shift_right_logical3A_1551 = arith.shrui %xor3A_1544, %shift_right_logical3A_1550 : vector<128x128xi32>
    %or3A_1552 = arith.ori %shift_left3A_1548, %shift_right_logical3A_1551 : vector<128x128xi32>
    %xor3A_1553 = arith.xori %add3A_1545, %or3A_1552 : vector<128x128xi32>
    %add3A_1554 = arith.addi %add3A_1545, %xor3A_1553 : vector<128x128xi32>
    %shift_left3A_1555 = arith.constant 26 : i32
    %shift_left3A_1556 = vector.broadcast %shift_left3A_1555 : i32 to vector<128x128xi32>
    %shift_left3A_1557 = arith.shli %xor3A_1553, %shift_left3A_1556 : vector<128x128xi32>
    %shift_right_logical3A_1558 = arith.constant 6 : i32
    %shift_right_logical3A_1559 = vector.broadcast %shift_right_logical3A_1558 : i32 to vector<128x128xi32>
    %shift_right_logical3A_1560 = arith.shrui %xor3A_1553, %shift_right_logical3A_1559 : vector<128x128xi32>
    %or3A_1561 = arith.ori %shift_left3A_1557, %shift_right_logical3A_1560 : vector<128x128xi32>
    %xor3A_1562 = arith.xori %add3A_1554, %or3A_1561 : vector<128x128xi32>
    %add3A_1563 = arith.addi %add3A_1554, %xor3A_1562 : vector<128x128xi32>
    %shift_left3A_1564 = arith.constant 6 : i32
    %shift_left3A_1565 = vector.broadcast %shift_left3A_1564 : i32 to vector<128x128xi32>
    %shift_left3A_1566 = arith.shli %xor3A_1562, %shift_left3A_1565 : vector<128x128xi32>
    %shift_right_logical3A_1567 = arith.constant 26 : i32
    %shift_right_logical3A_1568 = vector.broadcast %shift_right_logical3A_1567 : i32 to vector<128x128xi32>
    %shift_right_logical3A_1569 = arith.shrui %xor3A_1562, %shift_right_logical3A_1568 : vector<128x128xi32>
    %or3A_1570 = arith.ori %shift_left3A_1566, %shift_right_logical3A_1569 : vector<128x128xi32>
    %xor3A_1571 = arith.xori %add3A_1563, %or3A_1570 : vector<128x128xi32>
    %add3A_1572 = arith.constant 0 : i32
    %add3A_1573 = vector.broadcast %add3A_1572 : i32 to vector<128x128xi32>
    %add3A_1574 = arith.addi %add3A_1563, %add3A_1573 : vector<128x128xi32>
    %add3A_1575 = arith.constant 45 : i32
    %add3A_1576 = vector.broadcast %add3A_1575 : i32 to vector<128x128xi32>
    %add3A_1577 = arith.addi %xor3A_1571, %add3A_1576 : vector<128x128xi32>
    %add3A_1578 = arith.addi %add3A_1574, %add3A_1577 : vector<128x128xi32>
    %shift_left3A_1579 = arith.constant 17 : i32
    %shift_left3A_1580 = vector.broadcast %shift_left3A_1579 : i32 to vector<128x128xi32>
    %shift_left3A_1581 = arith.shli %add3A_1577, %shift_left3A_1580 : vector<128x128xi32>
    %shift_right_logical3A_1582 = arith.constant 15 : i32
    %shift_right_logical3A_1583 = vector.broadcast %shift_right_logical3A_1582 : i32 to vector<128x128xi32>
    %shift_right_logical3A_1584 = arith.shrui %add3A_1577, %shift_right_logical3A_1583 : vector<128x128xi32>
    %or3A_1585 = arith.ori %shift_left3A_1581, %shift_right_logical3A_1584 : vector<128x128xi32>
    %xor3A_1586 = arith.xori %add3A_1578, %or3A_1585 : vector<128x128xi32>
    %add3A_1587 = arith.addi %add3A_1578, %xor3A_1586 : vector<128x128xi32>
    %shift_left3A_1588 = arith.constant 29 : i32
    %shift_left3A_1589 = vector.broadcast %shift_left3A_1588 : i32 to vector<128x128xi32>
    %shift_left3A_1590 = arith.shli %xor3A_1586, %shift_left3A_1589 : vector<128x128xi32>
    %shift_right_logical3A_1591 = arith.constant 3 : i32
    %shift_right_logical3A_1592 = vector.broadcast %shift_right_logical3A_1591 : i32 to vector<128x128xi32>
    %shift_right_logical3A_1593 = arith.shrui %xor3A_1586, %shift_right_logical3A_1592 : vector<128x128xi32>
    %or3A_1594 = arith.ori %shift_left3A_1590, %shift_right_logical3A_1593 : vector<128x128xi32>
    %xor3A_1595 = arith.xori %add3A_1587, %or3A_1594 : vector<128x128xi32>
    %add3A_1596 = arith.addi %add3A_1587, %xor3A_1595 : vector<128x128xi32>
    %shift_left3A_1597 = arith.constant 16 : i32
    %shift_left3A_1598 = vector.broadcast %shift_left3A_1597 : i32 to vector<128x128xi32>
    %shift_left3A_1599 = arith.shli %xor3A_1595, %shift_left3A_1598 : vector<128x128xi32>
    %shift_right_logical3A_1600 = arith.constant 16 : i32
    %shift_right_logical3A_1601 = vector.broadcast %shift_right_logical3A_1600 : i32 to vector<128x128xi32>
    %shift_right_logical3A_1602 = arith.shrui %xor3A_1595, %shift_right_logical3A_1601 : vector<128x128xi32>
    %or3A_1603 = arith.ori %shift_left3A_1599, %shift_right_logical3A_1602 : vector<128x128xi32>
    %xor3A_1604 = arith.xori %add3A_1596, %or3A_1603 : vector<128x128xi32>
    %add3A_1605 = arith.addi %add3A_1596, %xor3A_1604 : vector<128x128xi32>
    %shift_left3A_1606 = arith.constant 24 : i32
    %shift_left3A_1607 = vector.broadcast %shift_left3A_1606 : i32 to vector<128x128xi32>
    %shift_left3A_1608 = arith.shli %xor3A_1604, %shift_left3A_1607 : vector<128x128xi32>
    %shift_right_logical3A_1609 = arith.constant 8 : i32
    %shift_right_logical3A_1610 = vector.broadcast %shift_right_logical3A_1609 : i32 to vector<128x128xi32>
    %shift_right_logical3A_1611 = arith.shrui %xor3A_1604, %shift_right_logical3A_1610 : vector<128x128xi32>
    %or3A_1612 = arith.ori %shift_left3A_1608, %shift_right_logical3A_1611 : vector<128x128xi32>
    %xor3A_1613 = arith.xori %add3A_1605, %or3A_1612 : vector<128x128xi32>
    %add3A_1614 = arith.constant 42 : i32
    %add3A_1615 = vector.broadcast %add3A_1614 : i32 to vector<128x128xi32>
    %add3A_1616 = arith.addi %add3A_1605, %add3A_1615 : vector<128x128xi32>
    %add3A_1617 = arith.constant 466689012 : i32
    %add3A_1618 = vector.broadcast %add3A_1617 : i32 to vector<128x128xi32>
    %add3A_1619 = arith.addi %xor3A_1613, %add3A_1618 : vector<128x128xi32>
    %add3A_1620 = arith.addi %add3A_1616, %add3A_1619 : vector<128x128xi32>
    %shift_left3A_1621 = arith.constant 13 : i32
    %shift_left3A_1622 = vector.broadcast %shift_left3A_1621 : i32 to vector<128x128xi32>
    %shift_left3A_1623 = arith.shli %add3A_1619, %shift_left3A_1622 : vector<128x128xi32>
    %shift_right_logical3A_1624 = arith.constant 19 : i32
    %shift_right_logical3A_1625 = vector.broadcast %shift_right_logical3A_1624 : i32 to vector<128x128xi32>
    %shift_right_logical3A_1626 = arith.shrui %add3A_1619, %shift_right_logical3A_1625 : vector<128x128xi32>
    %or3A_1627 = arith.ori %shift_left3A_1623, %shift_right_logical3A_1626 : vector<128x128xi32>
    %xor3A_1628 = arith.xori %add3A_1620, %or3A_1627 : vector<128x128xi32>
    %add3A_1629 = arith.addi %add3A_1620, %xor3A_1628 : vector<128x128xi32>
    %shift_left3A_1630 = arith.constant 15 : i32
    %shift_left3A_1631 = vector.broadcast %shift_left3A_1630 : i32 to vector<128x128xi32>
    %shift_left3A_1632 = arith.shli %xor3A_1628, %shift_left3A_1631 : vector<128x128xi32>
    %shift_right_logical3A_1633 = arith.constant 17 : i32
    %shift_right_logical3A_1634 = vector.broadcast %shift_right_logical3A_1633 : i32 to vector<128x128xi32>
    %shift_right_logical3A_1635 = arith.shrui %xor3A_1628, %shift_right_logical3A_1634 : vector<128x128xi32>
    %or3A_1636 = arith.ori %shift_left3A_1632, %shift_right_logical3A_1635 : vector<128x128xi32>
    %xor3A_1637 = arith.xori %add3A_1629, %or3A_1636 : vector<128x128xi32>
    %add3A_1638 = arith.addi %add3A_1629, %xor3A_1637 : vector<128x128xi32>
    %shift_left3A_1639 = arith.constant 26 : i32
    %shift_left3A_1640 = vector.broadcast %shift_left3A_1639 : i32 to vector<128x128xi32>
    %shift_left3A_1641 = arith.shli %xor3A_1637, %shift_left3A_1640 : vector<128x128xi32>
    %shift_right_logical3A_1642 = arith.constant 6 : i32
    %shift_right_logical3A_1643 = vector.broadcast %shift_right_logical3A_1642 : i32 to vector<128x128xi32>
    %shift_right_logical3A_1644 = arith.shrui %xor3A_1637, %shift_right_logical3A_1643 : vector<128x128xi32>
    %or3A_1645 = arith.ori %shift_left3A_1641, %shift_right_logical3A_1644 : vector<128x128xi32>
    %xor3A_1646 = arith.xori %add3A_1638, %or3A_1645 : vector<128x128xi32>
    %add3A_1647 = arith.addi %add3A_1638, %xor3A_1646 : vector<128x128xi32>
    %shift_left3A_1648 = arith.constant 6 : i32
    %shift_left3A_1649 = vector.broadcast %shift_left3A_1648 : i32 to vector<128x128xi32>
    %shift_left3A_1650 = arith.shli %xor3A_1646, %shift_left3A_1649 : vector<128x128xi32>
    %shift_right_logical3A_1651 = arith.constant 26 : i32
    %shift_right_logical3A_1652 = vector.broadcast %shift_right_logical3A_1651 : i32 to vector<128x128xi32>
    %shift_right_logical3A_1653 = arith.shrui %xor3A_1646, %shift_right_logical3A_1652 : vector<128x128xi32>
    %or3A_1654 = arith.ori %shift_left3A_1650, %shift_right_logical3A_1653 : vector<128x128xi32>
    %xor3A_1655 = arith.xori %add3A_1647, %or3A_1654 : vector<128x128xi32>
    %add3A_1656 = arith.constant 466689008 : i32
    %add3A_1657 = vector.broadcast %add3A_1656 : i32 to vector<128x128xi32>
    %add3A_1658 = arith.addi %add3A_1647, %add3A_1657 : vector<128x128xi32>
    %add3A_1659 = arith.constant 5 : i32
    %add3A_1660 = vector.broadcast %add3A_1659 : i32 to vector<128x128xi32>
    %add3A_1661 = arith.addi %xor3A_1655, %add3A_1660 : vector<128x128xi32>
    %xor3A_1662 = arith.xori %add3A_1658, %add3A_1661 : vector<128x128xi32>
    %shift_right_logical3A_1663 = arith.constant 9 : i32
    %shift_right_logical3A_1664 = vector.broadcast %shift_right_logical3A_1663 : i32 to vector<128x128xi32>
    %shift_right_logical3A_1665 = arith.shrui %xor3A_1662, %shift_right_logical3A_1664 : vector<128x128xi32>
    %or3A_1666 = arith.constant 1065353216 : i32
    %or3A_1667 = vector.broadcast %or3A_1666 : i32 to vector<128x128xi32>
    %or3A_1668 = arith.ori %shift_right_logical3A_1665, %or3A_1667 : vector<128x128xi32>
    %bitcast_convert_type3A_1669 = tpu.bitcast %or3A_1668 : vector<128x128xi32> -> vector<128x128xf32>
    %sub3A_1670 = arith.constant 1.000000e+00 : f32
    %sub3A_1671 = vector.broadcast %sub3A_1670 : f32 to vector<128x128xf32>
    %sub3A_1672 = arith.subf %bitcast_convert_type3A_1669, %sub3A_1671 : vector<128x128xf32>
    %mul3A_1673 = arith.constant 2.000000e+00 : f32
    %mul3A_1674 = vector.broadcast %mul3A_1673 : f32 to vector<128x128xf32>
    %mul3A_1675 = arith.mulf %sub3A_1672, %mul3A_1674 : vector<128x128xf32>
    %add3A_1676 = arith.constant -0.99999994 : f32
    %add3A_1677 = vector.broadcast %add3A_1676 : f32 to vector<128x128xf32>
    %add3A_1678 = arith.addf %mul3A_1675, %add3A_1677 : vector<128x128xf32>
    %mul3A_1679 = arith.mulf %add3A_1678, %add3A_1678 : vector<128x128xf32>
    %sub3A_1680 = arith.constant 1.000000e+00 : f32
    %sub3A_1681 = vector.broadcast %sub3A_1680 : f32 to vector<128x128xf32>
    %sub3A_1682 = arith.subf %sub3A_1681, %mul3A_1679 : vector<128x128xf32>
    %log3A_1683 = math.log %sub3A_1682 : vector<128x128xf32>
    %neg3A_1684 = arith.constant 0.000000e+00 : f32
    %neg3A_1685 = vector.broadcast %neg3A_1684 : f32 to vector<128x128xf32>
    %neg3A_1686 = arith.subf %neg3A_1685, %log3A_1683 : vector<128x128xf32>
    %lt3A_1687 = arith.constant 5.000000e+00 : f32
    %lt3A_1688 = vector.broadcast %lt3A_1687 : f32 to vector<128x128xf32>
    %lt3A_1689 = arith.cmpf olt, %neg3A_1686, %lt3A_1688 : vector<128x128xf32>
    %sub3A_1690 = arith.constant 2.500000e+00 : f32
    %sub3A_1691 = vector.broadcast %sub3A_1690 : f32 to vector<128x128xf32>
    %sub3A_1692 = arith.subf %neg3A_1686, %sub3A_1691 : vector<128x128xf32>
    %sqrt3A_1693 = math.sqrt %neg3A_1686 : vector<128x128xf32>
    %sub3A_1694 = arith.constant 3.000000e+00 : f32
    %sub3A_1695 = vector.broadcast %sub3A_1694 : f32 to vector<128x128xf32>
    %sub3A_1696 = arith.subf %sqrt3A_1693, %sub3A_1695 : vector<128x128xf32>
    %select_n3A_1697 = arith.select %lt3A_1689, %sub3A_1692, %sub3A_1696 : vector<128x128xi1>, vector<128x128xf32>
    %jit3A_1698 = arith.constant 2.68603879E-4 : f32
    %jit3A_1699 = arith.constant 0.0112847611 : f32
    %broadcast_in_dim3A_1700 = vector.broadcast %jit3A_1698 : f32 to vector<128x128xf32>
    %broadcast_in_dim3A_1701 = vector.broadcast %jit3A_1699 : f32 to vector<128x128xf32>
    %select_n3A_1702 = arith.select %lt3A_1689, %broadcast_in_dim3A_1700, %broadcast_in_dim3A_1701 : vector<128x128xi1>, vector<128x128xf32>
    %jit3A_1703 = arith.constant -0.00179882906 : f32
    %jit3A_1704 = arith.constant -0.0149701508 : f32
    %broadcast_in_dim3A_1705 = vector.broadcast %jit3A_1703 : f32 to vector<128x128xf32>
    %broadcast_in_dim3A_1706 = vector.broadcast %jit3A_1704 : f32 to vector<128x128xf32>
    %select_n3A_1707 = arith.select %lt3A_1689, %broadcast_in_dim3A_1705, %broadcast_in_dim3A_1706 : vector<128x128xi1>, vector<128x128xf32>
    %mul3A_1708 = arith.mulf %select_n3A_1702, %select_n3A_1697 : vector<128x128xf32>
    %add3A_1709 = arith.addf %select_n3A_1707, %mul3A_1708 : vector<128x128xf32>
    %jit3A_1710 = arith.constant -0.00582481688 : f32
    %jit3A_1711 = arith.constant 0.0111749563 : f32
    %broadcast_in_dim3A_1712 = vector.broadcast %jit3A_1710 : f32 to vector<128x128xf32>
    %broadcast_in_dim3A_1713 = vector.broadcast %jit3A_1711 : f32 to vector<128x128xf32>
    %select_n3A_1714 = arith.select %lt3A_1689, %broadcast_in_dim3A_1712, %broadcast_in_dim3A_1713 : vector<128x128xi1>, vector<128x128xf32>
    %mul3A_1715 = arith.mulf %add3A_1709, %select_n3A_1697 : vector<128x128xf32>
    %add3A_1716 = arith.addf %select_n3A_1714, %mul3A_1715 : vector<128x128xf32>
    %jit3A_1717 = arith.constant 0.348833501 : f32
    %jit3A_1718 = arith.constant 1.41679764 : f32
    %broadcast_in_dim3A_1719 = vector.broadcast %jit3A_1717 : f32 to vector<128x128xf32>
    %broadcast_in_dim3A_1720 = vector.broadcast %jit3A_1718 : f32 to vector<128x128xf32>
    %select_n3A_1721 = arith.select %lt3A_1689, %broadcast_in_dim3A_1719, %broadcast_in_dim3A_1720 : vector<128x128xi1>, vector<128x128xf32>
    %mul3A_1722 = arith.mulf %add3A_1716, %select_n3A_1697 : vector<128x128xf32>
    %add3A_1723 = arith.addf %select_n3A_1721, %mul3A_1722 : vector<128x128xf32>
    %jit3A_1724 = arith.constant 2.12328982 : f32
    %jit3A_1725 = arith.constant 4.00653839 : f32
    %broadcast_in_dim3A_1726 = vector.broadcast %jit3A_1724 : f32 to vector<128x128xf32>
    %broadcast_in_dim3A_1727 = vector.broadcast %jit3A_1725 : f32 to vector<128x128xf32>
    %select_n3A_1728 = arith.select %lt3A_1689, %broadcast_in_dim3A_1726, %broadcast_in_dim3A_1727 : vector<128x128xi1>, vector<128x128xf32>
    %mul3A_1729 = arith.mulf %add3A_1723, %select_n3A_1697 : vector<128x128xf32>
    %add3A_1730 = arith.addf %select_n3A_1728, %mul3A_1729 : vector<128x128xf32>
    %mul3A_1731 = arith.mulf %add3A_1730, %add3A_1678 : vector<128x128xf32>
    %slice3A_1732 = vector.extract_strided_slice %transpose3A {offsets = [0, 5], sizes = [128, 1], strides = [1, 1]} : vector<128x8xf32> to vector<128x1xf32>
    %mul3A_1733 = vector.broadcast %slice3A_1732 : vector<128x1xf32> to vector<128x128xf32>
    %mul3A_1734 = arith.mulf %mul3A_1731, %mul3A_1733 : vector<128x128xf32>
    %swap3A_1735 = arith.constant 640 : index
    %swap3A_1736 = arith.constant 0 : index
    %swap3A_1737 = vector.load %arg2[%swap3A_1735, %swap3A_1736] : memref<1024x128xf32, #tpu.memory_space<vmem>>, vector<128x128xf32>
    tpu.vector_store %arg2[%swap3A_1735, %swap3A_1736], %mul3A_1734 {strides = array<i32>} : memref<1024x128xf32, #tpu.memory_space<vmem>>, vector<128x128xf32>,
    %add3A_1738 = arith.constant 98304 : i32
    %add3A_1739 = arith.addi %mul3A_0, %add3A_1738 : i32
    %add3A_1740 = arith.constant 42 : i32
    %add3A_1741 = arith.addi %add3A_1739, %add3A_1740 : i32
    %add3A_1742 = vector.broadcast %add3A_1741 : i32 to vector<128x128xi32>
    %add3A_1743 = arith.addi %add3A, %add3A_1742 : vector<128x128xi32>
    %shift_left3A_1744 = arith.constant 13 : i32
    %shift_left3A_1745 = vector.broadcast %shift_left3A_1744 : i32 to vector<128x128xi32>
    %shift_left3A_1746 = arith.shli %add3A_1743, %shift_left3A_1745 : vector<128x128xi32>
    %shift_right_logical3A_1747 = arith.constant 19 : i32
    %shift_right_logical3A_1748 = vector.broadcast %shift_right_logical3A_1747 : i32 to vector<128x128xi32>
    %shift_right_logical3A_1749 = arith.shrui %add3A_1743, %shift_right_logical3A_1748 : vector<128x128xi32>
    %or3A_1750 = arith.ori %shift_left3A_1746, %shift_right_logical3A_1749 : vector<128x128xi32>
    %xor3A_1751 = arith.xori %or3A_1750, %add3A_1743 : vector<128x128xi32>
    %add3A_1752 = arith.addi %add3A_1743, %xor3A_1751 : vector<128x128xi32>
    %shift_left3A_1753 = arith.constant 15 : i32
    %shift_left3A_1754 = vector.broadcast %shift_left3A_1753 : i32 to vector<128x128xi32>
    %shift_left3A_1755 = arith.shli %xor3A_1751, %shift_left3A_1754 : vector<128x128xi32>
    %shift_right_logical3A_1756 = arith.constant 17 : i32
    %shift_right_logical3A_1757 = vector.broadcast %shift_right_logical3A_1756 : i32 to vector<128x128xi32>
    %shift_right_logical3A_1758 = arith.shrui %xor3A_1751, %shift_right_logical3A_1757 : vector<128x128xi32>
    %or3A_1759 = arith.ori %shift_left3A_1755, %shift_right_logical3A_1758 : vector<128x128xi32>
    %xor3A_1760 = arith.xori %add3A_1752, %or3A_1759 : vector<128x128xi32>
    %add3A_1761 = arith.addi %add3A_1752, %xor3A_1760 : vector<128x128xi32>
    %shift_left3A_1762 = arith.constant 26 : i32
    %shift_left3A_1763 = vector.broadcast %shift_left3A_1762 : i32 to vector<128x128xi32>
    %shift_left3A_1764 = arith.shli %xor3A_1760, %shift_left3A_1763 : vector<128x128xi32>
    %shift_right_logical3A_1765 = arith.constant 6 : i32
    %shift_right_logical3A_1766 = vector.broadcast %shift_right_logical3A_1765 : i32 to vector<128x128xi32>
    %shift_right_logical3A_1767 = arith.shrui %xor3A_1760, %shift_right_logical3A_1766 : vector<128x128xi32>
    %or3A_1768 = arith.ori %shift_left3A_1764, %shift_right_logical3A_1767 : vector<128x128xi32>
    %xor3A_1769 = arith.xori %add3A_1761, %or3A_1768 : vector<128x128xi32>
    %add3A_1770 = arith.addi %add3A_1761, %xor3A_1769 : vector<128x128xi32>
    %shift_left3A_1771 = arith.constant 6 : i32
    %shift_left3A_1772 = vector.broadcast %shift_left3A_1771 : i32 to vector<128x128xi32>
    %shift_left3A_1773 = arith.shli %xor3A_1769, %shift_left3A_1772 : vector<128x128xi32>
    %shift_right_logical3A_1774 = arith.constant 26 : i32
    %shift_right_logical3A_1775 = vector.broadcast %shift_right_logical3A_1774 : i32 to vector<128x128xi32>
    %shift_right_logical3A_1776 = arith.shrui %xor3A_1769, %shift_right_logical3A_1775 : vector<128x128xi32>
    %or3A_1777 = arith.ori %shift_left3A_1773, %shift_right_logical3A_1776 : vector<128x128xi32>
    %xor3A_1778 = arith.xori %add3A_1770, %or3A_1777 : vector<128x128xi32>
    %add3A_1779 = arith.constant 42 : i32
    %add3A_1780 = vector.broadcast %add3A_1779 : i32 to vector<128x128xi32>
    %add3A_1781 = arith.addi %add3A_1770, %add3A_1780 : vector<128x128xi32>
    %add3A_1782 = arith.constant 466689009 : i32
    %add3A_1783 = vector.broadcast %add3A_1782 : i32 to vector<128x128xi32>
    %add3A_1784 = arith.addi %xor3A_1778, %add3A_1783 : vector<128x128xi32>
    %add3A_1785 = arith.addi %add3A_1781, %add3A_1784 : vector<128x128xi32>
    %shift_left3A_1786 = arith.constant 17 : i32
    %shift_left3A_1787 = vector.broadcast %shift_left3A_1786 : i32 to vector<128x128xi32>
    %shift_left3A_1788 = arith.shli %add3A_1784, %shift_left3A_1787 : vector<128x128xi32>
    %shift_right_logical3A_1789 = arith.constant 15 : i32
    %shift_right_logical3A_1790 = vector.broadcast %shift_right_logical3A_1789 : i32 to vector<128x128xi32>
    %shift_right_logical3A_1791 = arith.shrui %add3A_1784, %shift_right_logical3A_1790 : vector<128x128xi32>
    %or3A_1792 = arith.ori %shift_left3A_1788, %shift_right_logical3A_1791 : vector<128x128xi32>
    %xor3A_1793 = arith.xori %add3A_1785, %or3A_1792 : vector<128x128xi32>
    %add3A_1794 = arith.addi %add3A_1785, %xor3A_1793 : vector<128x128xi32>
    %shift_left3A_1795 = arith.constant 29 : i32
    %shift_left3A_1796 = vector.broadcast %shift_left3A_1795 : i32 to vector<128x128xi32>
    %shift_left3A_1797 = arith.shli %xor3A_1793, %shift_left3A_1796 : vector<128x128xi32>
    %shift_right_logical3A_1798 = arith.constant 3 : i32
    %shift_right_logical3A_1799 = vector.broadcast %shift_right_logical3A_1798 : i32 to vector<128x128xi32>
    %shift_right_logical3A_1800 = arith.shrui %xor3A_1793, %shift_right_logical3A_1799 : vector<128x128xi32>
    %or3A_1801 = arith.ori %shift_left3A_1797, %shift_right_logical3A_1800 : vector<128x128xi32>
    %xor3A_1802 = arith.xori %add3A_1794, %or3A_1801 : vector<128x128xi32>
    %add3A_1803 = arith.addi %add3A_1794, %xor3A_1802 : vector<128x128xi32>
    %shift_left3A_1804 = arith.constant 16 : i32
    %shift_left3A_1805 = vector.broadcast %shift_left3A_1804 : i32 to vector<128x128xi32>
    %shift_left3A_1806 = arith.shli %xor3A_1802, %shift_left3A_1805 : vector<128x128xi32>
    %shift_right_logical3A_1807 = arith.constant 16 : i32
    %shift_right_logical3A_1808 = vector.broadcast %shift_right_logical3A_1807 : i32 to vector<128x128xi32>
    %shift_right_logical3A_1809 = arith.shrui %xor3A_1802, %shift_right_logical3A_1808 : vector<128x128xi32>
    %or3A_1810 = arith.ori %shift_left3A_1806, %shift_right_logical3A_1809 : vector<128x128xi32>
    %xor3A_1811 = arith.xori %add3A_1803, %or3A_1810 : vector<128x128xi32>
    %add3A_1812 = arith.addi %add3A_1803, %xor3A_1811 : vector<128x128xi32>
    %shift_left3A_1813 = arith.constant 24 : i32
    %shift_left3A_1814 = vector.broadcast %shift_left3A_1813 : i32 to vector<128x128xi32>
    %shift_left3A_1815 = arith.shli %xor3A_1811, %shift_left3A_1814 : vector<128x128xi32>
    %shift_right_logical3A_1816 = arith.constant 8 : i32
    %shift_right_logical3A_1817 = vector.broadcast %shift_right_logical3A_1816 : i32 to vector<128x128xi32>
    %shift_right_logical3A_1818 = arith.shrui %xor3A_1811, %shift_right_logical3A_1817 : vector<128x128xi32>
    %or3A_1819 = arith.ori %shift_left3A_1815, %shift_right_logical3A_1818 : vector<128x128xi32>
    %xor3A_1820 = arith.xori %add3A_1812, %or3A_1819 : vector<128x128xi32>
    %add3A_1821 = arith.constant 466689008 : i32
    %add3A_1822 = vector.broadcast %add3A_1821 : i32 to vector<128x128xi32>
    %add3A_1823 = arith.addi %add3A_1812, %add3A_1822 : vector<128x128xi32>
    %add3A_1824 = arith.constant 2 : i32
    %add3A_1825 = vector.broadcast %add3A_1824 : i32 to vector<128x128xi32>
    %add3A_1826 = arith.addi %xor3A_1820, %add3A_1825 : vector<128x128xi32>
    %add3A_1827 = arith.addi %add3A_1823, %add3A_1826 : vector<128x128xi32>
    %shift_left3A_1828 = arith.constant 13 : i32
    %shift_left3A_1829 = vector.broadcast %shift_left3A_1828 : i32 to vector<128x128xi32>
    %shift_left3A_1830 = arith.shli %add3A_1826, %shift_left3A_1829 : vector<128x128xi32>
    %shift_right_logical3A_1831 = arith.constant 19 : i32
    %shift_right_logical3A_1832 = vector.broadcast %shift_right_logical3A_1831 : i32 to vector<128x128xi32>
    %shift_right_logical3A_1833 = arith.shrui %add3A_1826, %shift_right_logical3A_1832 : vector<128x128xi32>
    %or3A_1834 = arith.ori %shift_left3A_1830, %shift_right_logical3A_1833 : vector<128x128xi32>
    %xor3A_1835 = arith.xori %add3A_1827, %or3A_1834 : vector<128x128xi32>
    %add3A_1836 = arith.addi %add3A_1827, %xor3A_1835 : vector<128x128xi32>
    %shift_left3A_1837 = arith.constant 15 : i32
    %shift_left3A_1838 = vector.broadcast %shift_left3A_1837 : i32 to vector<128x128xi32>
    %shift_left3A_1839 = arith.shli %xor3A_1835, %shift_left3A_1838 : vector<128x128xi32>
    %shift_right_logical3A_1840 = arith.constant 17 : i32
    %shift_right_logical3A_1841 = vector.broadcast %shift_right_logical3A_1840 : i32 to vector<128x128xi32>
    %shift_right_logical3A_1842 = arith.shrui %xor3A_1835, %shift_right_logical3A_1841 : vector<128x128xi32>
    %or3A_1843 = arith.ori %shift_left3A_1839, %shift_right_logical3A_1842 : vector<128x128xi32>
    %xor3A_1844 = arith.xori %add3A_1836, %or3A_1843 : vector<128x128xi32>
    %add3A_1845 = arith.addi %add3A_1836, %xor3A_1844 : vector<128x128xi32>
    %shift_left3A_1846 = arith.constant 26 : i32
    %shift_left3A_1847 = vector.broadcast %shift_left3A_1846 : i32 to vector<128x128xi32>
    %shift_left3A_1848 = arith.shli %xor3A_1844, %shift_left3A_1847 : vector<128x128xi32>
    %shift_right_logical3A_1849 = arith.constant 6 : i32
    %shift_right_logical3A_1850 = vector.broadcast %shift_right_logical3A_1849 : i32 to vector<128x128xi32>
    %shift_right_logical3A_1851 = arith.shrui %xor3A_1844, %shift_right_logical3A_1850 : vector<128x128xi32>
    %or3A_1852 = arith.ori %shift_left3A_1848, %shift_right_logical3A_1851 : vector<128x128xi32>
    %xor3A_1853 = arith.xori %add3A_1845, %or3A_1852 : vector<128x128xi32>
    %add3A_1854 = arith.addi %add3A_1845, %xor3A_1853 : vector<128x128xi32>
    %shift_left3A_1855 = arith.constant 6 : i32
    %shift_left3A_1856 = vector.broadcast %shift_left3A_1855 : i32 to vector<128x128xi32>
    %shift_left3A_1857 = arith.shli %xor3A_1853, %shift_left3A_1856 : vector<128x128xi32>
    %shift_right_logical3A_1858 = arith.constant 26 : i32
    %shift_right_logical3A_1859 = vector.broadcast %shift_right_logical3A_1858 : i32 to vector<128x128xi32>
    %shift_right_logical3A_1860 = arith.shrui %xor3A_1853, %shift_right_logical3A_1859 : vector<128x128xi32>
    %or3A_1861 = arith.ori %shift_left3A_1857, %shift_right_logical3A_1860 : vector<128x128xi32>
    %xor3A_1862 = arith.xori %add3A_1854, %or3A_1861 : vector<128x128xi32>
    %add3A_1863 = arith.constant 0 : i32
    %add3A_1864 = vector.broadcast %add3A_1863 : i32 to vector<128x128xi32>
    %add3A_1865 = arith.addi %add3A_1854, %add3A_1864 : vector<128x128xi32>
    %add3A_1866 = arith.constant 45 : i32
    %add3A_1867 = vector.broadcast %add3A_1866 : i32 to vector<128x128xi32>
    %add3A_1868 = arith.addi %xor3A_1862, %add3A_1867 : vector<128x128xi32>
    %add3A_1869 = arith.addi %add3A_1865, %add3A_1868 : vector<128x128xi32>
    %shift_left3A_1870 = arith.constant 17 : i32
    %shift_left3A_1871 = vector.broadcast %shift_left3A_1870 : i32 to vector<128x128xi32>
    %shift_left3A_1872 = arith.shli %add3A_1868, %shift_left3A_1871 : vector<128x128xi32>
    %shift_right_logical3A_1873 = arith.constant 15 : i32
    %shift_right_logical3A_1874 = vector.broadcast %shift_right_logical3A_1873 : i32 to vector<128x128xi32>
    %shift_right_logical3A_1875 = arith.shrui %add3A_1868, %shift_right_logical3A_1874 : vector<128x128xi32>
    %or3A_1876 = arith.ori %shift_left3A_1872, %shift_right_logical3A_1875 : vector<128x128xi32>
    %xor3A_1877 = arith.xori %add3A_1869, %or3A_1876 : vector<128x128xi32>
    %add3A_1878 = arith.addi %add3A_1869, %xor3A_1877 : vector<128x128xi32>
    %shift_left3A_1879 = arith.constant 29 : i32
    %shift_left3A_1880 = vector.broadcast %shift_left3A_1879 : i32 to vector<128x128xi32>
    %shift_left3A_1881 = arith.shli %xor3A_1877, %shift_left3A_1880 : vector<128x128xi32>
    %shift_right_logical3A_1882 = arith.constant 3 : i32
    %shift_right_logical3A_1883 = vector.broadcast %shift_right_logical3A_1882 : i32 to vector<128x128xi32>
    %shift_right_logical3A_1884 = arith.shrui %xor3A_1877, %shift_right_logical3A_1883 : vector<128x128xi32>
    %or3A_1885 = arith.ori %shift_left3A_1881, %shift_right_logical3A_1884 : vector<128x128xi32>
    %xor3A_1886 = arith.xori %add3A_1878, %or3A_1885 : vector<128x128xi32>
    %add3A_1887 = arith.addi %add3A_1878, %xor3A_1886 : vector<128x128xi32>
    %shift_left3A_1888 = arith.constant 16 : i32
    %shift_left3A_1889 = vector.broadcast %shift_left3A_1888 : i32 to vector<128x128xi32>
    %shift_left3A_1890 = arith.shli %xor3A_1886, %shift_left3A_1889 : vector<128x128xi32>
    %shift_right_logical3A_1891 = arith.constant 16 : i32
    %shift_right_logical3A_1892 = vector.broadcast %shift_right_logical3A_1891 : i32 to vector<128x128xi32>
    %shift_right_logical3A_1893 = arith.shrui %xor3A_1886, %shift_right_logical3A_1892 : vector<128x128xi32>
    %or3A_1894 = arith.ori %shift_left3A_1890, %shift_right_logical3A_1893 : vector<128x128xi32>
    %xor3A_1895 = arith.xori %add3A_1887, %or3A_1894 : vector<128x128xi32>
    %add3A_1896 = arith.addi %add3A_1887, %xor3A_1895 : vector<128x128xi32>
    %shift_left3A_1897 = arith.constant 24 : i32
    %shift_left3A_1898 = vector.broadcast %shift_left3A_1897 : i32 to vector<128x128xi32>
    %shift_left3A_1899 = arith.shli %xor3A_1895, %shift_left3A_1898 : vector<128x128xi32>
    %shift_right_logical3A_1900 = arith.constant 8 : i32
    %shift_right_logical3A_1901 = vector.broadcast %shift_right_logical3A_1900 : i32 to vector<128x128xi32>
    %shift_right_logical3A_1902 = arith.shrui %xor3A_1895, %shift_right_logical3A_1901 : vector<128x128xi32>
    %or3A_1903 = arith.ori %shift_left3A_1899, %shift_right_logical3A_1902 : vector<128x128xi32>
    %xor3A_1904 = arith.xori %add3A_1896, %or3A_1903 : vector<128x128xi32>
    %add3A_1905 = arith.constant 42 : i32
    %add3A_1906 = vector.broadcast %add3A_1905 : i32 to vector<128x128xi32>
    %add3A_1907 = arith.addi %add3A_1896, %add3A_1906 : vector<128x128xi32>
    %add3A_1908 = arith.constant 466689012 : i32
    %add3A_1909 = vector.broadcast %add3A_1908 : i32 to vector<128x128xi32>
    %add3A_1910 = arith.addi %xor3A_1904, %add3A_1909 : vector<128x128xi32>
    %add3A_1911 = arith.addi %add3A_1907, %add3A_1910 : vector<128x128xi32>
    %shift_left3A_1912 = arith.constant 13 : i32
    %shift_left3A_1913 = vector.broadcast %shift_left3A_1912 : i32 to vector<128x128xi32>
    %shift_left3A_1914 = arith.shli %add3A_1910, %shift_left3A_1913 : vector<128x128xi32>
    %shift_right_logical3A_1915 = arith.constant 19 : i32
    %shift_right_logical3A_1916 = vector.broadcast %shift_right_logical3A_1915 : i32 to vector<128x128xi32>
    %shift_right_logical3A_1917 = arith.shrui %add3A_1910, %shift_right_logical3A_1916 : vector<128x128xi32>
    %or3A_1918 = arith.ori %shift_left3A_1914, %shift_right_logical3A_1917 : vector<128x128xi32>
    %xor3A_1919 = arith.xori %add3A_1911, %or3A_1918 : vector<128x128xi32>
    %add3A_1920 = arith.addi %add3A_1911, %xor3A_1919 : vector<128x128xi32>
    %shift_left3A_1921 = arith.constant 15 : i32
    %shift_left3A_1922 = vector.broadcast %shift_left3A_1921 : i32 to vector<128x128xi32>
    %shift_left3A_1923 = arith.shli %xor3A_1919, %shift_left3A_1922 : vector<128x128xi32>
    %shift_right_logical3A_1924 = arith.constant 17 : i32
    %shift_right_logical3A_1925 = vector.broadcast %shift_right_logical3A_1924 : i32 to vector<128x128xi32>
    %shift_right_logical3A_1926 = arith.shrui %xor3A_1919, %shift_right_logical3A_1925 : vector<128x128xi32>
    %or3A_1927 = arith.ori %shift_left3A_1923, %shift_right_logical3A_1926 : vector<128x128xi32>
    %xor3A_1928 = arith.xori %add3A_1920, %or3A_1927 : vector<128x128xi32>
    %add3A_1929 = arith.addi %add3A_1920, %xor3A_1928 : vector<128x128xi32>
    %shift_left3A_1930 = arith.constant 26 : i32
    %shift_left3A_1931 = vector.broadcast %shift_left3A_1930 : i32 to vector<128x128xi32>
    %shift_left3A_1932 = arith.shli %xor3A_1928, %shift_left3A_1931 : vector<128x128xi32>
    %shift_right_logical3A_1933 = arith.constant 6 : i32
    %shift_right_logical3A_1934 = vector.broadcast %shift_right_logical3A_1933 : i32 to vector<128x128xi32>
    %shift_right_logical3A_1935 = arith.shrui %xor3A_1928, %shift_right_logical3A_1934 : vector<128x128xi32>
    %or3A_1936 = arith.ori %shift_left3A_1932, %shift_right_logical3A_1935 : vector<128x128xi32>
    %xor3A_1937 = arith.xori %add3A_1929, %or3A_1936 : vector<128x128xi32>
    %add3A_1938 = arith.addi %add3A_1929, %xor3A_1937 : vector<128x128xi32>
    %shift_left3A_1939 = arith.constant 6 : i32
    %shift_left3A_1940 = vector.broadcast %shift_left3A_1939 : i32 to vector<128x128xi32>
    %shift_left3A_1941 = arith.shli %xor3A_1937, %shift_left3A_1940 : vector<128x128xi32>
    %shift_right_logical3A_1942 = arith.constant 26 : i32
    %shift_right_logical3A_1943 = vector.broadcast %shift_right_logical3A_1942 : i32 to vector<128x128xi32>
    %shift_right_logical3A_1944 = arith.shrui %xor3A_1937, %shift_right_logical3A_1943 : vector<128x128xi32>
    %or3A_1945 = arith.ori %shift_left3A_1941, %shift_right_logical3A_1944 : vector<128x128xi32>
    %xor3A_1946 = arith.xori %add3A_1938, %or3A_1945 : vector<128x128xi32>
    %add3A_1947 = arith.constant 466689008 : i32
    %add3A_1948 = vector.broadcast %add3A_1947 : i32 to vector<128x128xi32>
    %add3A_1949 = arith.addi %add3A_1938, %add3A_1948 : vector<128x128xi32>
    %add3A_1950 = arith.constant 5 : i32
    %add3A_1951 = vector.broadcast %add3A_1950 : i32 to vector<128x128xi32>
    %add3A_1952 = arith.addi %xor3A_1946, %add3A_1951 : vector<128x128xi32>
    %xor3A_1953 = arith.xori %add3A_1949, %add3A_1952 : vector<128x128xi32>
    %shift_right_logical3A_1954 = arith.constant 9 : i32
    %shift_right_logical3A_1955 = vector.broadcast %shift_right_logical3A_1954 : i32 to vector<128x128xi32>
    %shift_right_logical3A_1956 = arith.shrui %xor3A_1953, %shift_right_logical3A_1955 : vector<128x128xi32>
    %or3A_1957 = arith.constant 1065353216 : i32
    %or3A_1958 = vector.broadcast %or3A_1957 : i32 to vector<128x128xi32>
    %or3A_1959 = arith.ori %shift_right_logical3A_1956, %or3A_1958 : vector<128x128xi32>
    %bitcast_convert_type3A_1960 = tpu.bitcast %or3A_1959 : vector<128x128xi32> -> vector<128x128xf32>
    %sub3A_1961 = arith.constant 1.000000e+00 : f32
    %sub3A_1962 = vector.broadcast %sub3A_1961 : f32 to vector<128x128xf32>
    %sub3A_1963 = arith.subf %bitcast_convert_type3A_1960, %sub3A_1962 : vector<128x128xf32>
    %mul3A_1964 = arith.constant 2.000000e+00 : f32
    %mul3A_1965 = vector.broadcast %mul3A_1964 : f32 to vector<128x128xf32>
    %mul3A_1966 = arith.mulf %sub3A_1963, %mul3A_1965 : vector<128x128xf32>
    %add3A_1967 = arith.constant -0.99999994 : f32
    %add3A_1968 = vector.broadcast %add3A_1967 : f32 to vector<128x128xf32>
    %add3A_1969 = arith.addf %mul3A_1966, %add3A_1968 : vector<128x128xf32>
    %mul3A_1970 = arith.mulf %add3A_1969, %add3A_1969 : vector<128x128xf32>
    %sub3A_1971 = arith.constant 1.000000e+00 : f32
    %sub3A_1972 = vector.broadcast %sub3A_1971 : f32 to vector<128x128xf32>
    %sub3A_1973 = arith.subf %sub3A_1972, %mul3A_1970 : vector<128x128xf32>
    %log3A_1974 = math.log %sub3A_1973 : vector<128x128xf32>
    %neg3A_1975 = arith.constant 0.000000e+00 : f32
    %neg3A_1976 = vector.broadcast %neg3A_1975 : f32 to vector<128x128xf32>
    %neg3A_1977 = arith.subf %neg3A_1976, %log3A_1974 : vector<128x128xf32>
    %lt3A_1978 = arith.constant 5.000000e+00 : f32
    %lt3A_1979 = vector.broadcast %lt3A_1978 : f32 to vector<128x128xf32>
    %lt3A_1980 = arith.cmpf olt, %neg3A_1977, %lt3A_1979 : vector<128x128xf32>
    %sub3A_1981 = arith.constant 2.500000e+00 : f32
    %sub3A_1982 = vector.broadcast %sub3A_1981 : f32 to vector<128x128xf32>
    %sub3A_1983 = arith.subf %neg3A_1977, %sub3A_1982 : vector<128x128xf32>
    %sqrt3A_1984 = math.sqrt %neg3A_1977 : vector<128x128xf32>
    %sub3A_1985 = arith.constant 3.000000e+00 : f32
    %sub3A_1986 = vector.broadcast %sub3A_1985 : f32 to vector<128x128xf32>
    %sub3A_1987 = arith.subf %sqrt3A_1984, %sub3A_1986 : vector<128x128xf32>
    %select_n3A_1988 = arith.select %lt3A_1980, %sub3A_1983, %sub3A_1987 : vector<128x128xi1>, vector<128x128xf32>
    %jit3A_1989 = arith.constant 2.68603879E-4 : f32
    %jit3A_1990 = arith.constant 0.0112847611 : f32
    %broadcast_in_dim3A_1991 = vector.broadcast %jit3A_1989 : f32 to vector<128x128xf32>
    %broadcast_in_dim3A_1992 = vector.broadcast %jit3A_1990 : f32 to vector<128x128xf32>
    %select_n3A_1993 = arith.select %lt3A_1980, %broadcast_in_dim3A_1991, %broadcast_in_dim3A_1992 : vector<128x128xi1>, vector<128x128xf32>
    %jit3A_1994 = arith.constant -0.00179882906 : f32
    %jit3A_1995 = arith.constant -0.0149701508 : f32
    %broadcast_in_dim3A_1996 = vector.broadcast %jit3A_1994 : f32 to vector<128x128xf32>
    %broadcast_in_dim3A_1997 = vector.broadcast %jit3A_1995 : f32 to vector<128x128xf32>
    %select_n3A_1998 = arith.select %lt3A_1980, %broadcast_in_dim3A_1996, %broadcast_in_dim3A_1997 : vector<128x128xi1>, vector<128x128xf32>
    %mul3A_1999 = arith.mulf %select_n3A_1993, %select_n3A_1988 : vector<128x128xf32>
    %add3A_2000 = arith.addf %select_n3A_1998, %mul3A_1999 : vector<128x128xf32>
    %jit3A_2001 = arith.constant -0.00582481688 : f32
    %jit3A_2002 = arith.constant 0.0111749563 : f32
    %broadcast_in_dim3A_2003 = vector.broadcast %jit3A_2001 : f32 to vector<128x128xf32>
    %broadcast_in_dim3A_2004 = vector.broadcast %jit3A_2002 : f32 to vector<128x128xf32>
    %select_n3A_2005 = arith.select %lt3A_1980, %broadcast_in_dim3A_2003, %broadcast_in_dim3A_2004 : vector<128x128xi1>, vector<128x128xf32>
    %mul3A_2006 = arith.mulf %add3A_2000, %select_n3A_1988 : vector<128x128xf32>
    %add3A_2007 = arith.addf %select_n3A_2005, %mul3A_2006 : vector<128x128xf32>
    %jit3A_2008 = arith.constant 0.348833501 : f32
    %jit3A_2009 = arith.constant 1.41679764 : f32
    %broadcast_in_dim3A_2010 = vector.broadcast %jit3A_2008 : f32 to vector<128x128xf32>
    %broadcast_in_dim3A_2011 = vector.broadcast %jit3A_2009 : f32 to vector<128x128xf32>
    %select_n3A_2012 = arith.select %lt3A_1980, %broadcast_in_dim3A_2010, %broadcast_in_dim3A_2011 : vector<128x128xi1>, vector<128x128xf32>
    %mul3A_2013 = arith.mulf %add3A_2007, %select_n3A_1988 : vector<128x128xf32>
    %add3A_2014 = arith.addf %select_n3A_2012, %mul3A_2013 : vector<128x128xf32>
    %jit3A_2015 = arith.constant 2.12328982 : f32
    %jit3A_2016 = arith.constant 4.00653839 : f32
    %broadcast_in_dim3A_2017 = vector.broadcast %jit3A_2015 : f32 to vector<128x128xf32>
    %broadcast_in_dim3A_2018 = vector.broadcast %jit3A_2016 : f32 to vector<128x128xf32>
    %select_n3A_2019 = arith.select %lt3A_1980, %broadcast_in_dim3A_2017, %broadcast_in_dim3A_2018 : vector<128x128xi1>, vector<128x128xf32>
    %mul3A_2020 = arith.mulf %add3A_2014, %select_n3A_1988 : vector<128x128xf32>
    %add3A_2021 = arith.addf %select_n3A_2019, %mul3A_2020 : vector<128x128xf32>
    %mul3A_2022 = arith.mulf %add3A_2021, %add3A_1969 : vector<128x128xf32>
    %slice3A_2023 = vector.extract_strided_slice %transpose3A {offsets = [0, 6], sizes = [128, 1], strides = [1, 1]} : vector<128x8xf32> to vector<128x1xf32>
    %mul3A_2024 = vector.broadcast %slice3A_2023 : vector<128x1xf32> to vector<128x128xf32>
    %mul3A_2025 = arith.mulf %mul3A_2022, %mul3A_2024 : vector<128x128xf32>
    %swap3A_2026 = arith.constant 768 : index
    %swap3A_2027 = arith.constant 0 : index
    %swap3A_2028 = vector.load %arg2[%swap3A_2026, %swap3A_2027] : memref<1024x128xf32, #tpu.memory_space<vmem>>, vector<128x128xf32>
    tpu.vector_store %arg2[%swap3A_2026, %swap3A_2027], %mul3A_2025 {strides = array<i32>} : memref<1024x128xf32, #tpu.memory_space<vmem>>, vector<128x128xf32>,
    %add3A_2029 = arith.constant 114688 : i32
    %add3A_2030 = arith.addi %mul3A_0, %add3A_2029 : i32
    %add3A_2031 = arith.constant 42 : i32
    %add3A_2032 = arith.addi %add3A_2030, %add3A_2031 : i32
    %add3A_2033 = vector.broadcast %add3A_2032 : i32 to vector<128x128xi32>
    %add3A_2034 = arith.addi %add3A, %add3A_2033 : vector<128x128xi32>
    %shift_left3A_2035 = arith.constant 13 : i32
    %shift_left3A_2036 = vector.broadcast %shift_left3A_2035 : i32 to vector<128x128xi32>
    %shift_left3A_2037 = arith.shli %add3A_2034, %shift_left3A_2036 : vector<128x128xi32>
    %shift_right_logical3A_2038 = arith.constant 19 : i32
    %shift_right_logical3A_2039 = vector.broadcast %shift_right_logical3A_2038 : i32 to vector<128x128xi32>
    %shift_right_logical3A_2040 = arith.shrui %add3A_2034, %shift_right_logical3A_2039 : vector<128x128xi32>
    %or3A_2041 = arith.ori %shift_left3A_2037, %shift_right_logical3A_2040 : vector<128x128xi32>
    %xor3A_2042 = arith.xori %or3A_2041, %add3A_2034 : vector<128x128xi32>
    %add3A_2043 = arith.addi %add3A_2034, %xor3A_2042 : vector<128x128xi32>
    %shift_left3A_2044 = arith.constant 15 : i32
    %shift_left3A_2045 = vector.broadcast %shift_left3A_2044 : i32 to vector<128x128xi32>
    %shift_left3A_2046 = arith.shli %xor3A_2042, %shift_left3A_2045 : vector<128x128xi32>
    %shift_right_logical3A_2047 = arith.constant 17 : i32
    %shift_right_logical3A_2048 = vector.broadcast %shift_right_logical3A_2047 : i32 to vector<128x128xi32>
    %shift_right_logical3A_2049 = arith.shrui %xor3A_2042, %shift_right_logical3A_2048 : vector<128x128xi32>
    %or3A_2050 = arith.ori %shift_left3A_2046, %shift_right_logical3A_2049 : vector<128x128xi32>
    %xor3A_2051 = arith.xori %add3A_2043, %or3A_2050 : vector<128x128xi32>
    %add3A_2052 = arith.addi %add3A_2043, %xor3A_2051 : vector<128x128xi32>
    %shift_left3A_2053 = arith.constant 26 : i32
    %shift_left3A_2054 = vector.broadcast %shift_left3A_2053 : i32 to vector<128x128xi32>
    %shift_left3A_2055 = arith.shli %xor3A_2051, %shift_left3A_2054 : vector<128x128xi32>
    %shift_right_logical3A_2056 = arith.constant 6 : i32
    %shift_right_logical3A_2057 = vector.broadcast %shift_right_logical3A_2056 : i32 to vector<128x128xi32>
    %shift_right_logical3A_2058 = arith.shrui %xor3A_2051, %shift_right_logical3A_2057 : vector<128x128xi32>
    %or3A_2059 = arith.ori %shift_left3A_2055, %shift_right_logical3A_2058 : vector<128x128xi32>
    %xor3A_2060 = arith.xori %add3A_2052, %or3A_2059 : vector<128x128xi32>
    %add3A_2061 = arith.addi %add3A_2052, %xor3A_2060 : vector<128x128xi32>
    %shift_left3A_2062 = arith.constant 6 : i32
    %shift_left3A_2063 = vector.broadcast %shift_left3A_2062 : i32 to vector<128x128xi32>
    %shift_left3A_2064 = arith.shli %xor3A_2060, %shift_left3A_2063 : vector<128x128xi32>
    %shift_right_logical3A_2065 = arith.constant 26 : i32
    %shift_right_logical3A_2066 = vector.broadcast %shift_right_logical3A_2065 : i32 to vector<128x128xi32>
    %shift_right_logical3A_2067 = arith.shrui %xor3A_2060, %shift_right_logical3A_2066 : vector<128x128xi32>
    %or3A_2068 = arith.ori %shift_left3A_2064, %shift_right_logical3A_2067 : vector<128x128xi32>
    %xor3A_2069 = arith.xori %add3A_2061, %or3A_2068 : vector<128x128xi32>
    %add3A_2070 = arith.constant 42 : i32
    %add3A_2071 = vector.broadcast %add3A_2070 : i32 to vector<128x128xi32>
    %add3A_2072 = arith.addi %add3A_2061, %add3A_2071 : vector<128x128xi32>
    %add3A_2073 = arith.constant 466689009 : i32
    %add3A_2074 = vector.broadcast %add3A_2073 : i32 to vector<128x128xi32>
    %add3A_2075 = arith.addi %xor3A_2069, %add3A_2074 : vector<128x128xi32>
    %add3A_2076 = arith.addi %add3A_2072, %add3A_2075 : vector<128x128xi32>
    %shift_left3A_2077 = arith.constant 17 : i32
    %shift_left3A_2078 = vector.broadcast %shift_left3A_2077 : i32 to vector<128x128xi32>
    %shift_left3A_2079 = arith.shli %add3A_2075, %shift_left3A_2078 : vector<128x128xi32>
    %shift_right_logical3A_2080 = arith.constant 15 : i32
    %shift_right_logical3A_2081 = vector.broadcast %shift_right_logical3A_2080 : i32 to vector<128x128xi32>
    %shift_right_logical3A_2082 = arith.shrui %add3A_2075, %shift_right_logical3A_2081 : vector<128x128xi32>
    %or3A_2083 = arith.ori %shift_left3A_2079, %shift_right_logical3A_2082 : vector<128x128xi32>
    %xor3A_2084 = arith.xori %add3A_2076, %or3A_2083 : vector<128x128xi32>
    %add3A_2085 = arith.addi %add3A_2076, %xor3A_2084 : vector<128x128xi32>
    %shift_left3A_2086 = arith.constant 29 : i32
    %shift_left3A_2087 = vector.broadcast %shift_left3A_2086 : i32 to vector<128x128xi32>
    %shift_left3A_2088 = arith.shli %xor3A_2084, %shift_left3A_2087 : vector<128x128xi32>
    %shift_right_logical3A_2089 = arith.constant 3 : i32
    %shift_right_logical3A_2090 = vector.broadcast %shift_right_logical3A_2089 : i32 to vector<128x128xi32>
    %shift_right_logical3A_2091 = arith.shrui %xor3A_2084, %shift_right_logical3A_2090 : vector<128x128xi32>
    %or3A_2092 = arith.ori %shift_left3A_2088, %shift_right_logical3A_2091 : vector<128x128xi32>
    %xor3A_2093 = arith.xori %add3A_2085, %or3A_2092 : vector<128x128xi32>
    %add3A_2094 = arith.addi %add3A_2085, %xor3A_2093 : vector<128x128xi32>
    %shift_left3A_2095 = arith.constant 16 : i32
    %shift_left3A_2096 = vector.broadcast %shift_left3A_2095 : i32 to vector<128x128xi32>
    %shift_left3A_2097 = arith.shli %xor3A_2093, %shift_left3A_2096 : vector<128x128xi32>
    %shift_right_logical3A_2098 = arith.constant 16 : i32
    %shift_right_logical3A_2099 = vector.broadcast %shift_right_logical3A_2098 : i32 to vector<128x128xi32>
    %shift_right_logical3A_2100 = arith.shrui %xor3A_2093, %shift_right_logical3A_2099 : vector<128x128xi32>
    %or3A_2101 = arith.ori %shift_left3A_2097, %shift_right_logical3A_2100 : vector<128x128xi32>
    %xor3A_2102 = arith.xori %add3A_2094, %or3A_2101 : vector<128x128xi32>
    %add3A_2103 = arith.addi %add3A_2094, %xor3A_2102 : vector<128x128xi32>
    %shift_left3A_2104 = arith.constant 24 : i32
    %shift_left3A_2105 = vector.broadcast %shift_left3A_2104 : i32 to vector<128x128xi32>
    %shift_left3A_2106 = arith.shli %xor3A_2102, %shift_left3A_2105 : vector<128x128xi32>
    %shift_right_logical3A_2107 = arith.constant 8 : i32
    %shift_right_logical3A_2108 = vector.broadcast %shift_right_logical3A_2107 : i32 to vector<128x128xi32>
    %shift_right_logical3A_2109 = arith.shrui %xor3A_2102, %shift_right_logical3A_2108 : vector<128x128xi32>
    %or3A_2110 = arith.ori %shift_left3A_2106, %shift_right_logical3A_2109 : vector<128x128xi32>
    %xor3A_2111 = arith.xori %add3A_2103, %or3A_2110 : vector<128x128xi32>
    %add3A_2112 = arith.constant 466689008 : i32
    %add3A_2113 = vector.broadcast %add3A_2112 : i32 to vector<128x128xi32>
    %add3A_2114 = arith.addi %add3A_2103, %add3A_2113 : vector<128x128xi32>
    %add3A_2115 = arith.constant 2 : i32
    %add3A_2116 = vector.broadcast %add3A_2115 : i32 to vector<128x128xi32>
    %add3A_2117 = arith.addi %xor3A_2111, %add3A_2116 : vector<128x128xi32>
    %add3A_2118 = arith.addi %add3A_2114, %add3A_2117 : vector<128x128xi32>
    %shift_left3A_2119 = arith.constant 13 : i32
    %shift_left3A_2120 = vector.broadcast %shift_left3A_2119 : i32 to vector<128x128xi32>
    %shift_left3A_2121 = arith.shli %add3A_2117, %shift_left3A_2120 : vector<128x128xi32>
    %shift_right_logical3A_2122 = arith.constant 19 : i32
    %shift_right_logical3A_2123 = vector.broadcast %shift_right_logical3A_2122 : i32 to vector<128x128xi32>
    %shift_right_logical3A_2124 = arith.shrui %add3A_2117, %shift_right_logical3A_2123 : vector<128x128xi32>
    %or3A_2125 = arith.ori %shift_left3A_2121, %shift_right_logical3A_2124 : vector<128x128xi32>
    %xor3A_2126 = arith.xori %add3A_2118, %or3A_2125 : vector<128x128xi32>
    %add3A_2127 = arith.addi %add3A_2118, %xor3A_2126 : vector<128x128xi32>
    %shift_left3A_2128 = arith.constant 15 : i32
    %shift_left3A_2129 = vector.broadcast %shift_left3A_2128 : i32 to vector<128x128xi32>
    %shift_left3A_2130 = arith.shli %xor3A_2126, %shift_left3A_2129 : vector<128x128xi32>
    %shift_right_logical3A_2131 = arith.constant 17 : i32
    %shift_right_logical3A_2132 = vector.broadcast %shift_right_logical3A_2131 : i32 to vector<128x128xi32>
    %shift_right_logical3A_2133 = arith.shrui %xor3A_2126, %shift_right_logical3A_2132 : vector<128x128xi32>
    %or3A_2134 = arith.ori %shift_left3A_2130, %shift_right_logical3A_2133 : vector<128x128xi32>
    %xor3A_2135 = arith.xori %add3A_2127, %or3A_2134 : vector<128x128xi32>
    %add3A_2136 = arith.addi %add3A_2127, %xor3A_2135 : vector<128x128xi32>
    %shift_left3A_2137 = arith.constant 26 : i32
    %shift_left3A_2138 = vector.broadcast %shift_left3A_2137 : i32 to vector<128x128xi32>
    %shift_left3A_2139 = arith.shli %xor3A_2135, %shift_left3A_2138 : vector<128x128xi32>
    %shift_right_logical3A_2140 = arith.constant 6 : i32
    %shift_right_logical3A_2141 = vector.broadcast %shift_right_logical3A_2140 : i32 to vector<128x128xi32>
    %shift_right_logical3A_2142 = arith.shrui %xor3A_2135, %shift_right_logical3A_2141 : vector<128x128xi32>
    %or3A_2143 = arith.ori %shift_left3A_2139, %shift_right_logical3A_2142 : vector<128x128xi32>
    %xor3A_2144 = arith.xori %add3A_2136, %or3A_2143 : vector<128x128xi32>
    %add3A_2145 = arith.addi %add3A_2136, %xor3A_2144 : vector<128x128xi32>
    %shift_left3A_2146 = arith.constant 6 : i32
    %shift_left3A_2147 = vector.broadcast %shift_left3A_2146 : i32 to vector<128x128xi32>
    %shift_left3A_2148 = arith.shli %xor3A_2144, %shift_left3A_2147 : vector<128x128xi32>
    %shift_right_logical3A_2149 = arith.constant 26 : i32
    %shift_right_logical3A_2150 = vector.broadcast %shift_right_logical3A_2149 : i32 to vector<128x128xi32>
    %shift_right_logical3A_2151 = arith.shrui %xor3A_2144, %shift_right_logical3A_2150 : vector<128x128xi32>
    %or3A_2152 = arith.ori %shift_left3A_2148, %shift_right_logical3A_2151 : vector<128x128xi32>
    %xor3A_2153 = arith.xori %add3A_2145, %or3A_2152 : vector<128x128xi32>
    %add3A_2154 = arith.constant 0 : i32
    %add3A_2155 = vector.broadcast %add3A_2154 : i32 to vector<128x128xi32>
    %add3A_2156 = arith.addi %add3A_2145, %add3A_2155 : vector<128x128xi32>
    %add3A_2157 = arith.constant 45 : i32
    %add3A_2158 = vector.broadcast %add3A_2157 : i32 to vector<128x128xi32>
    %add3A_2159 = arith.addi %xor3A_2153, %add3A_2158 : vector<128x128xi32>
    %add3A_2160 = arith.addi %add3A_2156, %add3A_2159 : vector<128x128xi32>
    %shift_left3A_2161 = arith.constant 17 : i32
    %shift_left3A_2162 = vector.broadcast %shift_left3A_2161 : i32 to vector<128x128xi32>
    %shift_left3A_2163 = arith.shli %add3A_2159, %shift_left3A_2162 : vector<128x128xi32>
    %shift_right_logical3A_2164 = arith.constant 15 : i32
    %shift_right_logical3A_2165 = vector.broadcast %shift_right_logical3A_2164 : i32 to vector<128x128xi32>
    %shift_right_logical3A_2166 = arith.shrui %add3A_2159, %shift_right_logical3A_2165 : vector<128x128xi32>
    %or3A_2167 = arith.ori %shift_left3A_2163, %shift_right_logical3A_2166 : vector<128x128xi32>
    %xor3A_2168 = arith.xori %add3A_2160, %or3A_2167 : vector<128x128xi32>
    %add3A_2169 = arith.addi %add3A_2160, %xor3A_2168 : vector<128x128xi32>
    %shift_left3A_2170 = arith.constant 29 : i32
    %shift_left3A_2171 = vector.broadcast %shift_left3A_2170 : i32 to vector<128x128xi32>
    %shift_left3A_2172 = arith.shli %xor3A_2168, %shift_left3A_2171 : vector<128x128xi32>
    %shift_right_logical3A_2173 = arith.constant 3 : i32
    %shift_right_logical3A_2174 = vector.broadcast %shift_right_logical3A_2173 : i32 to vector<128x128xi32>
    %shift_right_logical3A_2175 = arith.shrui %xor3A_2168, %shift_right_logical3A_2174 : vector<128x128xi32>
    %or3A_2176 = arith.ori %shift_left3A_2172, %shift_right_logical3A_2175 : vector<128x128xi32>
    %xor3A_2177 = arith.xori %add3A_2169, %or3A_2176 : vector<128x128xi32>
    %add3A_2178 = arith.addi %add3A_2169, %xor3A_2177 : vector<128x128xi32>
    %shift_left3A_2179 = arith.constant 16 : i32
    %shift_left3A_2180 = vector.broadcast %shift_left3A_2179 : i32 to vector<128x128xi32>
    %shift_left3A_2181 = arith.shli %xor3A_2177, %shift_left3A_2180 : vector<128x128xi32>
    %shift_right_logical3A_2182 = arith.constant 16 : i32
    %shift_right_logical3A_2183 = vector.broadcast %shift_right_logical3A_2182 : i32 to vector<128x128xi32>
    %shift_right_logical3A_2184 = arith.shrui %xor3A_2177, %shift_right_logical3A_2183 : vector<128x128xi32>
    %or3A_2185 = arith.ori %shift_left3A_2181, %shift_right_logical3A_2184 : vector<128x128xi32>
    %xor3A_2186 = arith.xori %add3A_2178, %or3A_2185 : vector<128x128xi32>
    %add3A_2187 = arith.addi %add3A_2178, %xor3A_2186 : vector<128x128xi32>
    %shift_left3A_2188 = arith.constant 24 : i32
    %shift_left3A_2189 = vector.broadcast %shift_left3A_2188 : i32 to vector<128x128xi32>
    %shift_left3A_2190 = arith.shli %xor3A_2186, %shift_left3A_2189 : vector<128x128xi32>
    %shift_right_logical3A_2191 = arith.constant 8 : i32
    %shift_right_logical3A_2192 = vector.broadcast %shift_right_logical3A_2191 : i32 to vector<128x128xi32>
    %shift_right_logical3A_2193 = arith.shrui %xor3A_2186, %shift_right_logical3A_2192 : vector<128x128xi32>
    %or3A_2194 = arith.ori %shift_left3A_2190, %shift_right_logical3A_2193 : vector<128x128xi32>
    %xor3A_2195 = arith.xori %add3A_2187, %or3A_2194 : vector<128x128xi32>
    %add3A_2196 = arith.constant 42 : i32
    %add3A_2197 = vector.broadcast %add3A_2196 : i32 to vector<128x128xi32>
    %add3A_2198 = arith.addi %add3A_2187, %add3A_2197 : vector<128x128xi32>
    %add3A_2199 = arith.constant 466689012 : i32
    %add3A_2200 = vector.broadcast %add3A_2199 : i32 to vector<128x128xi32>
    %add3A_2201 = arith.addi %xor3A_2195, %add3A_2200 : vector<128x128xi32>
    %add3A_2202 = arith.addi %add3A_2198, %add3A_2201 : vector<128x128xi32>
    %shift_left3A_2203 = arith.constant 13 : i32
    %shift_left3A_2204 = vector.broadcast %shift_left3A_2203 : i32 to vector<128x128xi32>
    %shift_left3A_2205 = arith.shli %add3A_2201, %shift_left3A_2204 : vector<128x128xi32>
    %shift_right_logical3A_2206 = arith.constant 19 : i32
    %shift_right_logical3A_2207 = vector.broadcast %shift_right_logical3A_2206 : i32 to vector<128x128xi32>
    %shift_right_logical3A_2208 = arith.shrui %add3A_2201, %shift_right_logical3A_2207 : vector<128x128xi32>
    %or3A_2209 = arith.ori %shift_left3A_2205, %shift_right_logical3A_2208 : vector<128x128xi32>
    %xor3A_2210 = arith.xori %add3A_2202, %or3A_2209 : vector<128x128xi32>
    %add3A_2211 = arith.addi %add3A_2202, %xor3A_2210 : vector<128x128xi32>
    %shift_left3A_2212 = arith.constant 15 : i32
    %shift_left3A_2213 = vector.broadcast %shift_left3A_2212 : i32 to vector<128x128xi32>
    %shift_left3A_2214 = arith.shli %xor3A_2210, %shift_left3A_2213 : vector<128x128xi32>
    %shift_right_logical3A_2215 = arith.constant 17 : i32
    %shift_right_logical3A_2216 = vector.broadcast %shift_right_logical3A_2215 : i32 to vector<128x128xi32>
    %shift_right_logical3A_2217 = arith.shrui %xor3A_2210, %shift_right_logical3A_2216 : vector<128x128xi32>
    %or3A_2218 = arith.ori %shift_left3A_2214, %shift_right_logical3A_2217 : vector<128x128xi32>
    %xor3A_2219 = arith.xori %add3A_2211, %or3A_2218 : vector<128x128xi32>
    %add3A_2220 = arith.addi %add3A_2211, %xor3A_2219 : vector<128x128xi32>
    %shift_left3A_2221 = arith.constant 26 : i32
    %shift_left3A_2222 = vector.broadcast %shift_left3A_2221 : i32 to vector<128x128xi32>
    %shift_left3A_2223 = arith.shli %xor3A_2219, %shift_left3A_2222 : vector<128x128xi32>
    %shift_right_logical3A_2224 = arith.constant 6 : i32
    %shift_right_logical3A_2225 = vector.broadcast %shift_right_logical3A_2224 : i32 to vector<128x128xi32>
    %shift_right_logical3A_2226 = arith.shrui %xor3A_2219, %shift_right_logical3A_2225 : vector<128x128xi32>
    %or3A_2227 = arith.ori %shift_left3A_2223, %shift_right_logical3A_2226 : vector<128x128xi32>
    %xor3A_2228 = arith.xori %add3A_2220, %or3A_2227 : vector<128x128xi32>
    %add3A_2229 = arith.addi %add3A_2220, %xor3A_2228 : vector<128x128xi32>
    %shift_left3A_2230 = arith.constant 6 : i32
    %shift_left3A_2231 = vector.broadcast %shift_left3A_2230 : i32 to vector<128x128xi32>
    %shift_left3A_2232 = arith.shli %xor3A_2228, %shift_left3A_2231 : vector<128x128xi32>
    %shift_right_logical3A_2233 = arith.constant 26 : i32
    %shift_right_logical3A_2234 = vector.broadcast %shift_right_logical3A_2233 : i32 to vector<128x128xi32>
    %shift_right_logical3A_2235 = arith.shrui %xor3A_2228, %shift_right_logical3A_2234 : vector<128x128xi32>
    %or3A_2236 = arith.ori %shift_left3A_2232, %shift_right_logical3A_2235 : vector<128x128xi32>
    %xor3A_2237 = arith.xori %add3A_2229, %or3A_2236 : vector<128x128xi32>
    %add3A_2238 = arith.constant 466689008 : i32
    %add3A_2239 = vector.broadcast %add3A_2238 : i32 to vector<128x128xi32>
    %add3A_2240 = arith.addi %add3A_2229, %add3A_2239 : vector<128x128xi32>
    %add3A_2241 = arith.constant 5 : i32
    %add3A_2242 = vector.broadcast %add3A_2241 : i32 to vector<128x128xi32>
    %add3A_2243 = arith.addi %xor3A_2237, %add3A_2242 : vector<128x128xi32>
    %xor3A_2244 = arith.xori %add3A_2240, %add3A_2243 : vector<128x128xi32>
    %shift_right_logical3A_2245 = arith.constant 9 : i32
    %shift_right_logical3A_2246 = vector.broadcast %shift_right_logical3A_2245 : i32 to vector<128x128xi32>
    %shift_right_logical3A_2247 = arith.shrui %xor3A_2244, %shift_right_logical3A_2246 : vector<128x128xi32>
    %or3A_2248 = arith.constant 1065353216 : i32
    %or3A_2249 = vector.broadcast %or3A_2248 : i32 to vector<128x128xi32>
    %or3A_2250 = arith.ori %shift_right_logical3A_2247, %or3A_2249 : vector<128x128xi32>
    %bitcast_convert_type3A_2251 = tpu.bitcast %or3A_2250 : vector<128x128xi32> -> vector<128x128xf32>
    %sub3A_2252 = arith.constant 1.000000e+00 : f32
    %sub3A_2253 = vector.broadcast %sub3A_2252 : f32 to vector<128x128xf32>
    %sub3A_2254 = arith.subf %bitcast_convert_type3A_2251, %sub3A_2253 : vector<128x128xf32>
    %mul3A_2255 = arith.constant 2.000000e+00 : f32
    %mul3A_2256 = vector.broadcast %mul3A_2255 : f32 to vector<128x128xf32>
    %mul3A_2257 = arith.mulf %sub3A_2254, %mul3A_2256 : vector<128x128xf32>
    %add3A_2258 = arith.constant -0.99999994 : f32
    %add3A_2259 = vector.broadcast %add3A_2258 : f32 to vector<128x128xf32>
    %add3A_2260 = arith.addf %mul3A_2257, %add3A_2259 : vector<128x128xf32>
    %mul3A_2261 = arith.mulf %add3A_2260, %add3A_2260 : vector<128x128xf32>
    %sub3A_2262 = arith.constant 1.000000e+00 : f32
    %sub3A_2263 = vector.broadcast %sub3A_2262 : f32 to vector<128x128xf32>
    %sub3A_2264 = arith.subf %sub3A_2263, %mul3A_2261 : vector<128x128xf32>
    %log3A_2265 = math.log %sub3A_2264 : vector<128x128xf32>
    %neg3A_2266 = arith.constant 0.000000e+00 : f32
    %neg3A_2267 = vector.broadcast %neg3A_2266 : f32 to vector<128x128xf32>
    %neg3A_2268 = arith.subf %neg3A_2267, %log3A_2265 : vector<128x128xf32>
    %lt3A_2269 = arith.constant 5.000000e+00 : f32
    %lt3A_2270 = vector.broadcast %lt3A_2269 : f32 to vector<128x128xf32>
    %lt3A_2271 = arith.cmpf olt, %neg3A_2268, %lt3A_2270 : vector<128x128xf32>
    %sub3A_2272 = arith.constant 2.500000e+00 : f32
    %sub3A_2273 = vector.broadcast %sub3A_2272 : f32 to vector<128x128xf32>
    %sub3A_2274 = arith.subf %neg3A_2268, %sub3A_2273 : vector<128x128xf32>
    %sqrt3A_2275 = math.sqrt %neg3A_2268 : vector<128x128xf32>
    %sub3A_2276 = arith.constant 3.000000e+00 : f32
    %sub3A_2277 = vector.broadcast %sub3A_2276 : f32 to vector<128x128xf32>
    %sub3A_2278 = arith.subf %sqrt3A_2275, %sub3A_2277 : vector<128x128xf32>
    %select_n3A_2279 = arith.select %lt3A_2271, %sub3A_2274, %sub3A_2278 : vector<128x128xi1>, vector<128x128xf32>
    %jit3A_2280 = arith.constant 2.68603879E-4 : f32
    %jit3A_2281 = arith.constant 0.0112847611 : f32
    %broadcast_in_dim3A_2282 = vector.broadcast %jit3A_2280 : f32 to vector<128x128xf32>
    %broadcast_in_dim3A_2283 = vector.broadcast %jit3A_2281 : f32 to vector<128x128xf32>
    %select_n3A_2284 = arith.select %lt3A_2271, %broadcast_in_dim3A_2282, %broadcast_in_dim3A_2283 : vector<128x128xi1>, vector<128x128xf32>
    %jit3A_2285 = arith.constant -0.00179882906 : f32
    %jit3A_2286 = arith.constant -0.0149701508 : f32
    %broadcast_in_dim3A_2287 = vector.broadcast %jit3A_2285 : f32 to vector<128x128xf32>
    %broadcast_in_dim3A_2288 = vector.broadcast %jit3A_2286 : f32 to vector<128x128xf32>
    %select_n3A_2289 = arith.select %lt3A_2271, %broadcast_in_dim3A_2287, %broadcast_in_dim3A_2288 : vector<128x128xi1>, vector<128x128xf32>
    %mul3A_2290 = arith.mulf %select_n3A_2284, %select_n3A_2279 : vector<128x128xf32>
    %add3A_2291 = arith.addf %select_n3A_2289, %mul3A_2290 : vector<128x128xf32>
    %jit3A_2292 = arith.constant -0.00582481688 : f32
    %jit3A_2293 = arith.constant 0.0111749563 : f32
    %broadcast_in_dim3A_2294 = vector.broadcast %jit3A_2292 : f32 to vector<128x128xf32>
    %broadcast_in_dim3A_2295 = vector.broadcast %jit3A_2293 : f32 to vector<128x128xf32>
    %select_n3A_2296 = arith.select %lt3A_2271, %broadcast_in_dim3A_2294, %broadcast_in_dim3A_2295 : vector<128x128xi1>, vector<128x128xf32>
    %mul3A_2297 = arith.mulf %add3A_2291, %select_n3A_2279 : vector<128x128xf32>
    %add3A_2298 = arith.addf %select_n3A_2296, %mul3A_2297 : vector<128x128xf32>
    %jit3A_2299 = arith.constant 0.348833501 : f32
    %jit3A_2300 = arith.constant 1.41679764 : f32
    %broadcast_in_dim3A_2301 = vector.broadcast %jit3A_2299 : f32 to vector<128x128xf32>
    %broadcast_in_dim3A_2302 = vector.broadcast %jit3A_2300 : f32 to vector<128x128xf32>
    %select_n3A_2303 = arith.select %lt3A_2271, %broadcast_in_dim3A_2301, %broadcast_in_dim3A_2302 : vector<128x128xi1>, vector<128x128xf32>
    %mul3A_2304 = arith.mulf %add3A_2298, %select_n3A_2279 : vector<128x128xf32>
    %add3A_2305 = arith.addf %select_n3A_2303, %mul3A_2304 : vector<128x128xf32>
    %jit3A_2306 = arith.constant 2.12328982 : f32
    %jit3A_2307 = arith.constant 4.00653839 : f32
    %broadcast_in_dim3A_2308 = vector.broadcast %jit3A_2306 : f32 to vector<128x128xf32>
    %broadcast_in_dim3A_2309 = vector.broadcast %jit3A_2307 : f32 to vector<128x128xf32>
    %select_n3A_2310 = arith.select %lt3A_2271, %broadcast_in_dim3A_2308, %broadcast_in_dim3A_2309 : vector<128x128xi1>, vector<128x128xf32>
    %mul3A_2311 = arith.mulf %add3A_2305, %select_n3A_2279 : vector<128x128xf32>
    %add3A_2312 = arith.addf %select_n3A_2310, %mul3A_2311 : vector<128x128xf32>
    %mul3A_2313 = arith.mulf %add3A_2312, %add3A_2260 : vector<128x128xf32>
    %slice3A_2314 = vector.extract_strided_slice %transpose3A {offsets = [0, 7], sizes = [128, 1], strides = [1, 1]} : vector<128x8xf32> to vector<128x1xf32>
    %mul3A_2315 = vector.broadcast %slice3A_2314 : vector<128x1xf32> to vector<128x128xf32>
    %mul3A_2316 = arith.mulf %mul3A_2313, %mul3A_2315 : vector<128x128xf32>
    %swap3A_2317 = arith.constant 896 : index
    %swap3A_2318 = arith.constant 0 : index
    %swap3A_2319 = vector.load %arg2[%swap3A_2317, %swap3A_2318] : memref<1024x128xf32, #tpu.memory_space<vmem>>, vector<128x128xf32>
    tpu.vector_store %arg2[%swap3A_2317, %swap3A_2318], %mul3A_2316 {strides = array<i32>} : memref<1024x128xf32, #tpu.memory_space<vmem>>, vector<128x128xf32>,
    return
  }
  func.func @transform_0(%arg0: i32) -> (i32, i32) {
    %c0_i32 = arith.constant 0 : i32
    %c0_i32_0 = arith.constant 0 : i32
    return %arg0, %c0_i32 : i32, i32
  }
  func.func @transform_1(%arg0: i32) -> (i32, i32) {
    %c0_i32 = arith.constant 0 : i32
    %c0_i32_0 = arith.constant 0 : i32
    return %arg0, %c0_i32 : i32, i32
  }
}

</mosaic_0001>

<sc_bundles>
// kernel: kernel.4.cloned.1.call-start
scs
__scs_entry_jumppad:
0x0: {  	(pc) =	sbr.rel $0x88, $3  }
0x1: {  	(tag) =	ssettag $0x0;
	lr =	simm.s32 $0x1  }
0x2: {  	[smem:$0x3F9F] =	sst lr;
	_ =	strace $0xD0000000  }
0x3: {  	_ = 	snop  }
0x4: {  	_ = 	snop  }
0x5: {  	_ = 	snop  }
0x6: {  	_ = 	snop  }
0x7: {  	_ = 	snop  }
__scs_overlays_trampoline_lowered:
0x8: {  	[smem:$0x3FAE] =	sst s0  }
0x9: {  	[smem:$0x3FAF] =	sst s1  }
0xa: {  	[smem:$0x3FB0] =	sst s2  }
0xb: {  	[smem:$0x3FB1] =	sst s3  }
0xc: {  	[smem:$0x3FB2] =	sst s4  }
0xd: {  	[smem:$0x3FB3] =	sst s5  }
0xe: {  	[smem:$0x3FB4] =	sst s6  }
0xf: {  	[smem:$0x3FB5] =	sst s7  }
0x10: {  	[smem:$0x3FB6] =	sst s8  }
0x11: {  	[smem:$0x3FB7] =	sst s9;
	s0 =	simm.s32 @!p0 $0x0  }
0x12: {  	s1 =	sld [smem:$0x3F9D];
	s0 =	simm.s32 @p0 $0x1  }
0x13: {  	[smem:$0x3FB8] =	sst s0;
	s0 =	simm.s32 @!p1 $0x0  }
0x14: {  	s2 =	sld [smem:$0x3F9C];
	s0 =	simm.s32 @p1 $0x1  }
0x15: {  	[smem:$0x3FB9] =	sst s0;
	s0 =	simm.s32 @!p2 $0x0  }
0x16: {  	s3 =	sld [smem:$0x3FDB];
	s0 =	simm.s32 @p2 $0x1  }
0x17: {  	s4 =	simm.s32 $0x1BF5;
	[smem:$0x3FBB] =	sst s0  }
0x18: {  	s0 =	sld [smem:$0x3F9E];
	_ =	swait.ge [sflag:s4], $0x0  }
0x19: {  	s7 =	sld [smem:$0x3F9F]  }
0x1a: {  	s8 =	sadd.s32 $0xFFFFE003, lr  }
0x1b: {  	s9 =	sadd.s32 $0xFFFFFEF7, lr;
	s5 =	simm.s32 $0xFFFFFFFF;
	p2 =	slt.u32 s8, $0xFFFFF086  }
0x1c: {  	p1 =	slt.u32 s9, $0xF7A;
	s5 =	simm.s32 @!p2 $0x0  }
0x1d: {  	s5 =	simm.s32 @p1 $0x1;
	p0 =	seq.s32 s7, s2  }
0x1e: {  	s7 =	smul.u32 @!p0 $0xF7A, s2;
	p2 =	seq.s32 @!p0 s5, $0x0  }
0x1f: {  	s9 =	smul.u32 $0xF7A, s1;
	s8 =	simm.s32 @!p0 $0x1BF5;
	p2 =	por !p2, p0  }
0x20: {  	[sflag:s8] =	ssyncset.s32 @!p0 $0xFFFFF086;
	s6 =	sadd.s32 @!p0 s3, s7;
	s7 =	simm.s32 @!p0 $0x108  }
0x21: {  	s3 =	sadd.s32 s3, s9;
	s6 =	sadd.s32 @!p0 $0x88, s6;
	s7 =	simm.s32 @p2 $0x1082  }
0x22: {  	[simem:s7], [sflag:s8] =	dma.local @!p0 [hbm:s6], $0xF7A  }
0x23: {  	s9 =	sor.u32 $0xD0000000, s2;
	s6 =	simm.s32 $0x108;
	_ =	swait.ge @!p0 [sflag:s8], $0x0  }
0x24: {  	s3 =	sadd.s32 $0x88, s3;
	s6 =	simm.s32 @!p1 $0x1082;
	[sflag:s4] =	ssyncset.s32 $0xFFFFF086  }
0x25: {  	[simem:s6], [sflag:s4] =	dma.local [hbm:s3], $0xF7A  }
0x26: {  	[smem:$0x3F9F] =	sst s1;
	(tag) =	ssettag s2;
	_ =	strace s9  }
0x27: {  	s1 =	sld [smem:$0x3FAF]  }
0x28: {  	s2 =	sld [smem:$0x3FB0]  }
0x29: {  	s4 =	sld [smem:$0x3FB2]  }
0x2a: {  	p0 =	seq.s32 s5, $0x0;
	s5 =	sld [smem:$0x3FB3]  }
0x2b: {  	s6 =	sld [smem:$0x3FB4]  }
0x2c: {  	s7 =	sld [smem:$0x3FB5]  }
0x2d: {  	s3 =	simm.s32 $0x108;
	s8 =	sld [smem:$0x3FB6]  }
0x2e: {  	s3 =	simm.s32 @!p0 $0x1082;
	s9 =	sld [smem:$0x3FB7]  }
0x2f: {  	lr =	sadd.s32 s0, s3;
	s0 =	sld [smem:$0x3FAE]  }
0x30: {  	s3 =	sld [smem:$0x3FB1]  }
0x31: {  	[smem:$0x3FBA] =	sst s10  }
0x32: {  	s10 =	sld [smem:$0x3FB8];
	_ =	sdelay $0x3  }
0x33: {  	p0 =	seq.s32 s10, $0x1;
	s10 =	sld [smem:$0x3FBA];
	_ =	sdelay $0x3  }
0x34: {  	[smem:$0x3FBA] =	sst s10  }
0x35: {  	s10 =	sld [smem:$0x3FB9];
	_ =	sdelay $0x3  }
0x36: {  	p1 =	seq.s32 s10, $0x1;
	s10 =	sld [smem:$0x3FBA];
	_ =	sdelay $0x3  }
0x37: {  	[smem:$0x3FBA] =	sst s10  }
0x38: {  	s10 =	sld [smem:$0x3FBB]  }
0x39: {  	_ = 	snop;
	(pc) =	sbr.ind lr, $3  }
0x3a: {  	_ = 	snop  }
0x3b: {  	_ = 	snop  }
0x3c: {  	p2 =	seq.s32 s10, $0x1;
	s10 =	sld [smem:$0x3FBA]  }
0x3d: {  	_ =	shalt  }
0x3e: {  	_ =	shalt  }
0x3f: {  	_ =	shalt  }
0x40: {  	_ =	shalt  }
0x41: {  	_ =	shalt  }
0x42: {  	_ =	shalt  }
0x43: {  	_ =	shalt  }
0x44: {  	_ =	shalt  }
0x45: {  	_ =	shalt  }
0x46: {  	_ =	shalt  }
0x47: {  	_ =	shalt  }
0x48: {  	_ =	shalt  }
0x49: {  	_ =	shalt  }
0x4a: {  	_ =	shalt  }
0x4b: {  	_ =	shalt  }
0x4c: {  	_ =	shalt  }
0x4d: {  	_ =	shalt  }
0x4e: {  	_ =	shalt  }
0x4f: {  	_ =	shalt  }
0x50: {  	_ =	shalt  }
0x51: {  	_ =	shalt  }
0x52: {  	_ =	shalt  }
0x53: {  	_ =	shalt  }
0x54: {  	_ =	shalt  }
0x55: {  	_ =	shalt  }
0x56: {  	_ =	shalt  }
0x57: {  	_ =	shalt  }
0x58: {  	_ =	shalt  }
0x59: {  	_ =	shalt  }
0x5a: {  	_ =	shalt  }
0x5b: {  	_ =	shalt  }
0x5c: {  	_ =	shalt  }
0x5d: {  	_ =	shalt  }
0x5e: {  	_ =	shalt  }
0x5f: {  	_ =	shalt  }
0x60: {  	_ =	shalt  }
0x61: {  	_ =	shalt  }
0x62: {  	_ =	shalt  }
0x63: {  	_ =	shalt  }
0x64: {  	_ =	shalt  }
0x65: {  	_ =	shalt  }
0x66: {  	_ =	shalt  }
0x67: {  	_ =	shalt  }
0x68: {  	_ =	shalt  }
0x69: {  	_ =	shalt  }
0x6a: {  	_ =	shalt  }
0x6b: {  	_ =	shalt  }
0x6c: {  	_ =	shalt  }
0x6d: {  	_ =	shalt  }
0x6e: {  	_ =	shalt  }
0x6f: {  	_ =	shalt  }
0x70: {  	_ =	shalt  }
0x71: {  	_ =	shalt  }
0x72: {  	_ =	shalt  }
0x73: {  	_ =	shalt  }
0x74: {  	_ =	shalt  }
0x75: {  	_ =	shalt  }
0x76: {  	_ =	shalt  }
0x77: {  	_ =	shalt  }
0x78: {  	_ =	shalt  }
0x79: {  	_ =	shalt  }
0x7a: {  	_ =	shalt  }
0x7b: {  	_ =	shalt  }
0x7c: {  	_ =	shalt  }
0x7d: {  	_ =	shalt  }
0x7e: {  	_ =	shalt  }
0x7f: {  	_ =	shalt  }
0x80: {  	_ =	shalt  }
0x81: {  	_ =	shalt  }
0x82: {  	_ =	shalt  }
0x83: {  	_ =	shalt  }
0x84: {  	_ =	shalt  }
0x85: {  	_ =	shalt  }
0x86: {  	_ =	shalt  }
0x87: {  	_ =	shalt  }
.Lfunc_end0:
.L_simem_size_0:
called_computation_lowered:
.L_overlay_start_0:
0x88: {  	s2 =	sld [smem:$0x3FD9]  }
0x89: {  	s3 =	sld [smem:$0x3FFE];
	_ =	sdelay $0x1  }
0x8a: {  	s1 =	srdreg.scid  }
0x8b: {  	s0 =	sand.u32 $0x1, s1  }
0x8c: {  	s17 =	sshll.u32 s0, $0xA;
	s2 =	sadd.s32 s3, s2  }
0x8d: {  	s2 =	sadd.s32 s2, s17  }
0x8e: {  	[smem:$0x3FC6] =	sst s2  }
0x8f: {  	_ = 	snop  }
0x90: {  	s2 =	sld [smem:$0x3FD0];
	(tm) =	ssettm $0x1  }
0x91: {  	s18 =	sld [smem:$0x3FFB];
	_ =	sdelay $0x3  }
0x92: {  	_ =	strace s18  }
0x93: {  	s3 =	sld [smem:$0x3FFC];
	_ =	sdelay $0x3  }
0x94: {  	_ =	strace s3  }
0x95: {  	s3 =	sld [smem:$0x3FFD];
	_ =	sdelay $0x3  }
0x96: {  	_ =	strace s3  }
0x97: {  	_ =	strace $0x8FFFFFFF  }
0x98: {  	s19 =	sld [smem:$0x3FDB];
	_ =	sdelay $0x1  }
0x99: {  	s4 =	simm.s32 $_scs_section_size  }
0x9a: {  	s5 =	simm.s32 $_size__tile_overlayer_lowered;
	s6 =	simm.s32 $_tile_overlayer_lowered  }
0x9b: {  	s22 =	simm.s32 $0x1BFF;
	s21 =	sshll.u32 s6, $0x1;
	s3 =	sadd.s32 s4, s19  }
0x9c: {  	s7 =	simm.s32 $0x0;
	s20 =	sshll.u32 s5, $0x1;
	s5 =	sadd.s32 s21, s3  }
0x9d: {  	[timem:s7], [sflag:s22] =	dma.local [hbm:s5], s20  }
0x9e: {  	_ =	swait.ge [sflag:s22], s20  }
0x9f: {  	s4 =	ssub.s32 $0x0, s20;
	[sflag:s22] =	ssyncset.done $0x0  }
0xa0: {  	[sflag:s22] =	ssyncadd.s32 s4;
	_ =	sdelay $0x1  }
0xa1: {  	s23 =	simm.s32 $0x1B8B  }
0xa2: {  	_ =	swait.ge [sflag:s23], $0x1  }
0xa3: {  	[sflag:s23] =	ssyncset.done $0x0  }
0xa4: {  	s25 =	simm.s32 $0x1B8E;
	s24 =	sld [smem:$0x3FFE];
	[sflag:s23] =	ssyncadd.s32 $0xFFFFFFFF  }
0xa5: {  	s26 =	simm.s32 $execute0_lowered;
	[smem:$0x3FD2] =	sst s25  }
0xa6: {  	s5 =	sshll.u32 s26, $0x1;
	_ =	strace $0x80000046;
	[dreg:$0x1] =	wrdreg $0xFFFFFFFF  }
0xa7: {  	s28 =	simm.s32 $_size_execute0_lowered;
	s3 =	sadd.s32 s3, s5;
	[dreg:$0x0] =	wrdreg $0x0  }
0xa8: {  	s5 =	sshll.u32 s28, $0x1;
	[dreg:$0x2] =	wrdreg s3  }
0xa9: {  	[dreg:$0x3] =	wrdreg s5  }
0xaa: {  	[dreg:$0x4] =	wrdreg $0xC0  }
0xab: {  	_ =	task [dreg:s7], $0x5FFFF  }
0xac: {  	[dreg:$0x1] =	wrdreg $0xFFFFFFFF  }
0xad: {  	[dreg:$0x0] =	wrdreg $0x60  }
0xae: {  	[dreg:$0x2] =	wrdreg s24  }
0xaf: {  	[dreg:$0x3] =	wrdreg s2  }
0xb0: {  	[dreg:$0x4] =	wrdreg $0x9  }
0xb1: {  	_ =	task.clear_ibuf [dreg:s7], $0x5FFFF;
	_ =	strace $0x90000046  }
0xb2: {  	s29 =	simm.s32 $0x9;
	_ =	strace $0x80000048  }
0xb3: {  	_ =	swait.ge [sflag:s29], $0x1  }
0xb4: {  	[sflag:s29] =	ssyncadd.s32 $0xFFFFFFFF  }
0xb5: {  	_ =	strace $0x90000048  }
0xb6: {  	_ =	sfence  }
0xb7: {  	s30 =	sld [smem:$0x0];
	_ =	sdelay $0x2  }
0xb8: {  	s31 =	sshll.u32 s1, $0xD;
	s1 =	sshrl.u32 s1, $0x2  }
0xb9: {  	s3 =	sand.u32 $0x4000, s31;
	s1 =	sadd.s32 s1, s30  }
0xba: {  	s0 =	sor.u32 s3, s0;
	s1 =	sshll.u32 s1, $0x11  }
0xbb: {  	s0 =	sor.u32 s1, s0  }
0xbc: {  	s0 =	sadd.s32 $0x8F2B, s0  }
0xbd: {  	[sflag:s0] =	ssyncadd.remote.s32 $0x1  }
0xbe: {  	_ =	sfence.sel $0xFFFF  }
0xbf: {  	[dreg:$0x0] =	wrdreg $0xFFFFFFFF;
	(pc) =	sbr.abs _section_cstart, $3  }
0xc0: {  	[dreg:$0x1] =	wrdreg $0xFFFFFFFF  }
0xc1: {  	_ =	task.clear_ibuf [dreg:s7], $0x2FFFF;
	_ =	strace $0x9FFFFFFF  }
0xc2: {  	(tm) =	ssettm $0x7FFFFFFF  }
0xc3: {  	_ =	shalt  }
tec
execute0_lowered:
.L_overlay_start_1:
0x0: {  	(tag) =	ssettag $0x1  }
0x1: {  	s4 =	rddreg [dreg:$0x0]  }
0x2: {  	s1 =	srdreg.scid;
	s0 =	stileid.u32  }
0x3: {  	s5 =	rddreg [dreg:$0x1];
	s2 =	simm.s32 $0x0;
	s10 =	simm.s32 $0x0  }
0x4: {  	s3 =	sand.u32 $0x1, s1;
	s6 =	sshll.u32 s0, $0x1;
	s1 =	rddreg [dreg:$0x2]  }
0x5: {  	[smem:$0x7FF] =	sst s2;
	s6 =	sor.u32 s3, s6;
	s7 =	ssub.s32 $0x2, s3  }
0x6: {  	_ =	strace $0x80000047;
	s6 =	smul.u32 $0x320, s6;
	s8 =	sshrl.u32 s7, $0x1  }
0x7: {  	s3 =	sadd.s32 $0x200, s4;
	s7 =	ssub.s32 s7, s8;
	s8 =	simm.s32 $0x18700  }
0x8: {  	s9 =	sadd.s32 s6, s4;
	s4 =	sadd.s32 s5, s6;
	s6 =	smax.u32 s7, $0x1  }
0x9: {  	s7 =	simm.s32 $0x1;
	s5 =	sadd.s32 $0x3400, s9;
	s9 =	simm.s32 $0x1A000  }
.LBB2_1:
0xa: {  	[tilespmem:s2], [sflag:$0x1] =	stream.linear.gather [hbm4b:s3+s2], $0x18700, $0x38;
	[tilespmem:$0x1B900] =	vst v63  }
0xb: {  	_ =	swait.ge [sflag:s7], $0x18700  }
0xc: {  	[sflag:s7] =	ssyncset.done $0x0  }
0xd: {  	[sflag:s7] =	ssyncadd.s32 $0xFFFE7900  }
0xe: {  	[tilespmem:s8], [sflag:$0x1] =	stream.linear.gather [hbm4b:s4+s2], $0x1900, $0x38;
	[tilespmem:$0x1B900] =	vst v63  }
0xf: {  	_ =	swait.ge [sflag:s7], $0x1900  }
0x10: {  	[sflag:s7] =	ssyncset.done $0x0  }
0x11: {  	s11 =	simm.s32 $0x0;
	[sflag:s7] =	ssyncadd.s32 $0xFFFFE700  }
0x12: {  	v0 =	vld [tilespmem:s11+$0x18700];
	_ =	sdelay $0x7  }
0x13: {  	s12 =	simm.s32 $0x10;
	s13 =	simm.s32 $0x80;
	v0 =	vld.idx.msk [tilespmem:v0+s2+$0x0], $0xffff  }
.LBB2_2:
0x14: {  	p0 =	sne.s32 s13, $0x63C0;
	v1 =	vld [tilespmem:s12+$0x18700];
	_ =	sdelay $0x3  }
.Ltmp0:
0x15: {  	(pc) =	sbr.rel @p0 .LBB2_2-.Ltmp0, $2  }
0x16: {  	[tilespmem:s11+$0x1A000] =	vst v0;
	s11 =	smov.u32 s12;
	_ =	sdelay $0x2  }
0x17: {  	s12 =	sshra.s32 s13, $0x2;
	s13 =	sadd.s32 $0x40, s13;
	v0 =	vld.idx.msk [tilespmem:v1+s2+$0x0], $0xffff  }
0x18: {  	v1 =	vld [tilespmem:s12+$0x18700];
	_ =	sdelay $0x6  }
0x19: {  	[tilespmem:s11+$0x1A000] =	vst v0  }
0x1a: {  	v0 =	vld.idx.msk [tilespmem:v1+s2+$0x0], $0xffff;
	_ =	sdelay $0x2  }
0x1b: {  	s10 =	sadd.s32 $0x1, s10  }
0x1c: {  	p0 =	sne.s32 s10, s6  }
.Ltmp1:
0x1d: {  	[tilespmem:s12+$0x1A000] =	vst v0;
	(pc) =	sbr.rel @p0 .LBB2_1-.Ltmp1, $4  }
0x1e: {  	[hbm4b:s5+s2] =	stream.linear.scatter [tilespmem:s9], [sflag:$0x1], $0x1900, $0x38;
	[tilespmem:$0x1B900] =	vst v63  }
0x1f: {  	_ =	swait.ge [sflag:s7], $0x1900  }
0x20: {  	[sflag:s7] =	ssyncset.done $0x0  }
0x21: {  	[sflag:s7] =	ssyncadd.s32 $0xFFFFE700  }
0x22: {  	_ =	sfence.sel $0x180000  }
0x23: {  	[bflag:$0x0] =	sbarrier.arrive $0xFFFF  }
0x24: {  	p0 =	sne.s32 s0, $0x0;
	_ =	strace $0x90000047  }
0x25: {  	s0 =	sadd.s32 @!p0 $0x100000, s1;
	[bflag:$0x2] =	sbarrier.arrive $0xFFFF  }
0x26: {  	[sflag:s0] =	ssyncadd.tile.s32 @!p0 $0x1;
	_ =	shalt  }
.Lfunc_end2:
_tile_overlayer_lowered:
.L_overlay_start_2:
0x27: {  	(tag) =	ssettag $0x2  }
0x28: {  	s0 =	rddreg [dreg:$0x0];
	s2 =	stileid.u32  }
0x29: {  	s1 =	rddreg [dreg:$0x1];
	p0 =	sne.s32 s2, $0x0  }
0x2a: {  	s3 =	rddreg [dreg:$0x2];
	[bflag:$0x3] =	sbarrier.arrive $0xFFFF;
	s2 =	simm.s32 @!p0 $0x1C01  }
0x2b: {  	[timem:s3], [sflag:s2] =	dma.local @!p0 [hbm:s0], s1  }
0x2c: {  	s0 =	simm.s32 @!p0 $0x1  }
0x2d: {  	_ =	swait.ge @!p0 [sflag:s0], s1  }
0x2e: {  	s1 =	ssub.s32 @!p0 $0x0, s1;
	[sflag:s0] =	ssyncset.done @!p0 $0x0  }
0x2f: {  	[sflag:s0] =	ssyncadd.s32 @!p0 s1  }
0x30: {  	[bflag:$0x3] =	sbarrier.arrive $0xFFFF  }
0x31: {  	_ =	shalt  }

</sc_bundles>
